<compile_context>
chip_gen: v7x
topology: tpu7x:2x2x1
jax: 0.10.2.dev20260603
libtpu: 0.0.44.dev20260713+nightly
codegen_flags: <defaults>
</compile_context>

<pallas_src>
import functools

import jax
import jax.numpy as jnp
from jax import lax
from jax.experimental import pallas as pl
from jax.experimental.pallas import tpu as pltpu
from jax.experimental.pallas import tpu_sc as plsc

V = 8192
D = 256
B = 16
HW = 1024
M = B * HW

BC = 512
NCB = V // BC
BG = 8

NC, NS = 2, 16
NW = NC * NS
ROWS_PER_W = M // NW
CHUNK = 128
NCHUNK = ROWS_PER_W // CHUNK
HISTW = 128


def _argmin_body(x_ref, w_ref, idx_ref, minv_ref, rmin_ref, rarg_ref):
    c = pl.program_id(1)
    Wc = w_ref[...]
    wsq = jnp.sum(Wc * Wc, axis=1)
    for bb in range(BG):
        X = x_ref[bb]
        colsq = jnp.sum(X * X, axis=0)
        mm = lax.dot_general(
            Wc, X, (((1,), (0,)), ((), ())),
            preferred_element_type=jnp.float32,
            precision=lax.Precision.DEFAULT)
        dist = (colsq[None, :] + wsq[:, None]) - 2.0 * mm
        lmin = jnp.min(dist, axis=0)
        rows = lax.broadcasted_iota(jnp.int32, (BC, HW), 0)
        larg = jnp.min(jnp.where(dist == lmin[None, :], rows, BC),
                       axis=0) + c * BC

        @pl.when(c == 0)
        def _():
            rmin_ref[bb, :] = lmin
            rarg_ref[bb, :] = larg

        @pl.when(c > 0)
        def _():
            prev = rmin_ref[bb, :]
            better = lmin < prev
            rmin_ref[bb, :] = jnp.where(better, lmin, prev)
            rarg_ref[bb, :] = jnp.where(better, larg, rarg_ref[bb, :])

        @pl.when(c == NCB - 1)
        def _():
            idx_ref[bb, 0, :] = rarg_ref[bb, :]
            minv_ref[bb, 0, :] = rmin_ref[bb, :]


def _argmin_call(X3, W):
    return pl.pallas_call(
        _argmin_body,
        grid=(B // BG, NCB),
        in_specs=[
            pl.BlockSpec((BG, D, HW), lambda b, c: (b, 0, 0)),
            pl.BlockSpec((BC, D), lambda b, c: (c, 0)),
        ],
        out_specs=[
            pl.BlockSpec((BG, 1, HW), lambda b, c: (b, 0, 0)),
            pl.BlockSpec((BG, 1, HW), lambda b, c: (b, 0, 0)),
        ],
        out_shape=[
            jax.ShapeDtypeStruct((B, 1, HW), jnp.int32),
            jax.ShapeDtypeStruct((B, 1, HW), jnp.float32),
        ],
        scratch_shapes=[
            pltpu.VMEM((BG, HW), jnp.float32),
            pltpu.VMEM((BG, HW), jnp.int32),
        ],
        compiler_params=pltpu.CompilerParams(
            dimension_semantics=("arbitrary", "arbitrary")),
    )(X3, W)


def _sc_body(w_hbm, idx_hbm, ones_hbm, zeros_hbm,
             quant_out, counts_out,
             idx_c, rows_v, ones_v, hist_sh, sem):
    c = lax.axis_index("c")
    s = lax.axis_index("s")
    wid = s * NC + c

    @pl.when(s == 0)
    def _():
        pltpu.sync_copy(zeros_hbm, hist_sh)

    pltpu.sync_copy(ones_hbm, ones_v)
    plsc.subcore_barrier()

    for j in range(NCHUNK):
        base = pl.multiple_of(wid * ROWS_PER_W + j * CHUNK, CHUNK)
        pltpu.sync_copy(idx_hbm.at[pl.ds(base, CHUNK)], idx_c)
        pltpu.async_copy(w_hbm.at[idx_c], rows_v, sem).wait()
        pltpu.sync_copy(rows_v, quant_out.at[pl.ds(base, CHUNK)])
        pltpu.sync_copy(ones_v, hist_sh.at[idx_c], add=True)

    plsc.subcore_barrier()

    @pl.when(s == 0)
    def _():
        pltpu.sync_copy(hist_sh, counts_out.at[c])


@functools.lru_cache(maxsize=1)
def _sc_gather_hist():
    mesh = plsc.VectorSubcoreMesh(
        core_axis_name="c", subcore_axis_name="s",
        num_cores=NC, num_subcores=NS)
    return pl.kernel(
        _sc_body,
        out_type=(
            jax.ShapeDtypeStruct((M, D), jnp.float32),
            jax.ShapeDtypeStruct((NC, V, HISTW), jnp.float32),
        ),
        mesh=mesh,
        scratch_types=[
            pltpu.VMEM((CHUNK,), jnp.int32),
            pltpu.VMEM((CHUNK, D), jnp.float32),
            pltpu.VMEM((CHUNK, HISTW), jnp.float32),
            pltpu.VMEM_SHARED((V, HISTW), jnp.float32),
            pltpu.SemaphoreType.DMA,
        ],
    )


def _finalize_body(cnt_ref, minv_ref, loss_ref, perp_ref):
    cnt = cnt_ref[0, :, 0] + cnt_ref[1, :, 0]
    avg = cnt * (1.0 / M)
    ent = jnp.sum(avg * jnp.log(avg + 1e-10))
    perp_ref[0, 0] = jnp.exp(-ent)
    lsum = jnp.sum(minv_ref[...])
    loss_ref[0, 0] = 1.25 * lsum / (M * D)


def _finalize_call(counts, minv3):
    return pl.pallas_call(
        _finalize_body,
        out_specs=[
            pl.BlockSpec(memory_space=pltpu.SMEM),
            pl.BlockSpec(memory_space=pltpu.SMEM),
        ],
        out_shape=[
            jax.ShapeDtypeStruct((1, 1), jnp.float32),
            jax.ShapeDtypeStruct((1, 1), jnp.float32),
        ],
    )(counts, minv3)


@jax.jit
def kernel(inputs, W):
    X3 = inputs.reshape(B, D, HW)
    idx3, minv3 = _argmin_call(X3, W)
    idx_flat = idx3.reshape(M)
    ones = jnp.ones((CHUNK, HISTW), jnp.float32)
    zeros = jnp.zeros((V, HISTW), jnp.float32)
    quant, counts = _sc_gather_hist()(W, idx_flat, ones, zeros)
    loss2, perp2 = _finalize_call(counts, minv3)
    q = quant.reshape(B, 32, 32, D).transpose(0, 3, 1, 2)
    return q, loss2[0, 0], perp2[0, 0]

# --- scband reference (transcript-rebuilt; emitter-appended) ---
"""Pipeline reference for scband-vector-quantizer-1924145349236 (READ-ONLY COPY).

The authoritative reference and input builder live on the scoring server;
editing this copy changes nothing except your own understanding.
"""

import jax, jax.numpy as jnp
import numpy as np

COMMITMENT_COST = 0.25
NUM_EMBEDDINGS = 8192
EMBEDDING_DIM = 256


def setup_inputs(seed: int = 0) -> dict:
    key = jax.random.key(seed)
    k1, k2 = jax.random.split(key)
    inputs = jax.random.normal(k1, (16, 256, 32, 32), dtype=jnp.float32)
    W = jax.random.uniform(k2, (NUM_EMBEDDINGS, EMBEDDING_DIM), dtype=jnp.float32,
                           minval=-1.0 / NUM_EMBEDDINGS, maxval=1.0 / NUM_EMBEDDINGS)
    return {"inputs": inputs, "W": W}


def reference(inputs, W):
    # permute(0, 2, 3, 1)
    x = jnp.transpose(inputs, (0, 2, 3, 1))
    input_shape = x.shape
    flat_input = x.reshape(-1, EMBEDDING_DIM)
    # squared L2 distances to every codebook entry
    distances = (jnp.sum(flat_input ** 2, axis=1, keepdims=True)
                 + jnp.sum(W ** 2, axis=1)
                 - 2.0 * jnp.matmul(flat_input, W.T))
    encoding_indices = jnp.argmin(distances, axis=1)
    # scatter one-hot (encodings.scatter_(1, idx, 1))
    encodings = jax.nn.one_hot(encoding_indices, NUM_EMBEDDINGS, dtype=jnp.float32)
    quantized = jnp.matmul(encodings, W).reshape(input_shape)
    e_latent_loss = jnp.mean((jax.lax.stop_gradient(quantized) - x) ** 2)
    q_latent_loss = jnp.mean((quantized - jax.lax.stop_gradient(x)) ** 2)
    loss = q_latent_loss + COMMITMENT_COST * e_latent_loss
    # straight-through estimator
    quantized = x + jax.lax.stop_gradient(quantized - x)
    avg_probs = jnp.mean(encodings, axis=0)
    perplexity = jnp.exp(-jnp.sum(avg_probs * jnp.log(avg_probs + 1e-10)))
    return (jnp.transpose(quantized, (0, 3, 1, 2)), loss, perplexity)

if __name__ == "__main__":
    import jax
    _d = setup_inputs()
    print(jax.jit(kernel)(*tuple(_d.values())))

</pallas_src>

<mosaic_0001>
#map = affine_map<(d0, d1) -> (0, 0)>
#map1 = affine_map<(d0, d1) -> (0)>
#map2 = affine_map<(d0, d1) -> (0, 0, 0)>
module attributes {stable_mosaic.version = 14 : i64} {
  func.func @_sc_body(%arg0: i32, %arg1: i32, %arg2: memref<8192x256xf32, #tpu.memory_space<hbm>>, %arg3: memref<16384xi32, #tpu.memory_space<hbm>>, %arg4: memref<128x128xf32, #tpu.memory_space<hbm>>, %arg5: memref<8192x128xf32, #tpu.memory_space<hbm>>, %arg6: memref<16384x256xf32, #tpu.memory_space<hbm>>, %arg7: memref<2x8192x128xf32, #tpu.memory_space<hbm>>, %arg8: memref<128xi32, #tpu.memory_space<vmem>>, %arg9: memref<128x256xf32, #tpu.memory_space<vmem>>, %arg10: memref<128x128xf32, #tpu.memory_space<vmem>>, %arg11: memref<8192x128xf32, #tpu.memory_space<vmem_shared>>, %arg12: memref<!tpu.dma_semaphore, #tpu.memory_space<semaphore_mem>>) attributes {dimension_semantics = [#tpu.dimension_semantics<core_parallel>, #tpu.dimension_semantics<subcore_parallel>], iteration_bounds = array<i64: 2, 16>, scalar_prefetch = 0 : i64, scratch_operands = 5 : i64, tpu.core_type = #tpu.core_type<sc_vector_subcore>, window_params = [{transform_indices = #map}, {transform_indices = #map1}, {transform_indices = #map}, {transform_indices = #map}, {transform_indices = #map}, {transform_indices = #map2}]} {
    %mul3A = arith.constant 2 : i32
    %mul3A_0 = arith.muli %arg1, %mul3A : i32
    %add3A = arith.addi %mul3A_0, %arg0 : i32
    %eq3A = arith.constant 0 : i32
    %eq3A_1 = arith.cmpi eq, %arg1, %eq3A : i32
    %convert_element_type3A = arith.extui %eq3A_1 : i1 to i32
    %cond3A = arith.constant 0 : i32
    %cond3A_2 = arith.cmpi ne, %convert_element_type3A, %cond3A : i32
    scf.if %cond3A_2 {
      "tpu.region"() ({
        %run_scoped3A = tpu.sem_alloc : memref<!tpu.dma_semaphore, #tpu.memory_space<semaphore_mem>>
        tpu.enqueue_dma source(%arg5 : memref<8192x128xf32, #tpu.memory_space<hbm>>) target(%arg11 : memref<8192x128xf32, #tpu.memory_space<vmem_shared>>) target_semaphore(%run_scoped3A : memref<!tpu.dma_semaphore, #tpu.memory_space<semaphore_mem>>)
        tpu.wait_dma2 semaphore(%run_scoped3A : memref<!tpu.dma_semaphore, #tpu.memory_space<semaphore_mem>>) src(%arg5 : memref<8192x128xf32, #tpu.memory_space<hbm>>) dst(%arg11 : memref<8192x128xf32, #tpu.memory_space<vmem_shared>>)
        tpu.yield
      }) : () -> ()
    } else {
    }
    "tpu.region"() ({
      %run_scoped3A = tpu.sem_alloc : memref<!tpu.dma_semaphore, #tpu.memory_space<semaphore_mem>>
      tpu.enqueue_dma source(%arg4 : memref<128x128xf32, #tpu.memory_space<hbm>>) target(%arg10 : memref<128x128xf32, #tpu.memory_space<vmem>>) target_semaphore(%run_scoped3A : memref<!tpu.dma_semaphore, #tpu.memory_space<semaphore_mem>>)
      tpu.wait_dma2 semaphore(%run_scoped3A : memref<!tpu.dma_semaphore, #tpu.memory_space<semaphore_mem>>) src(%arg4 : memref<128x128xf32, #tpu.memory_space<hbm>>) dst(%arg10 : memref<128x128xf32, #tpu.memory_space<vmem>>)
      tpu.yield
    }) : () -> ()
    %barrier3A = arith.constant 0 : index
    tpu.barrier barrier_id(%barrier3A)
    %mul3A_3 = arith.constant 512 : i32
    %mul3A_4 = arith.muli %add3A, %mul3A_3 : i32
    %add3A_5 = arith.constant 0 : i32
    %add3A_6 = arith.addi %mul3A_4, %add3A_5 : i32
    %multiple_of3A = tpu.assume_multiple %add3A_6, 128 : i32
    "tpu.region"() ({
      %run_scoped3A = tpu.sem_alloc : memref<!tpu.dma_semaphore, #tpu.memory_space<semaphore_mem>>
      %dma_start3A_50 = tpu.memref_slice %arg3[%multiple_of3A] : memref<16384xi32, #tpu.memory_space<hbm>> -> memref<128xi32, #tpu.memory_space<hbm>>
      %dma_start3A_51 = tpu.memref_slice %arg3[%multiple_of3A] : memref<16384xi32, #tpu.memory_space<hbm>> -> memref<128xi32, #tpu.memory_space<hbm>>
      tpu.enqueue_dma source(%dma_start3A_51 : memref<128xi32, #tpu.memory_space<hbm>>) target(%arg8 : memref<128xi32, #tpu.memory_space<vmem>>) target_semaphore(%run_scoped3A : memref<!tpu.dma_semaphore, #tpu.memory_space<semaphore_mem>>)
      %dma_wait3A_52 = tpu.memref_slice %arg3[%multiple_of3A] : memref<16384xi32, #tpu.memory_space<hbm>> -> memref<128xi32, #tpu.memory_space<hbm>>
      %dma_wait3A_53 = tpu.memref_slice %arg3[%multiple_of3A] : memref<16384xi32, #tpu.memory_space<hbm>> -> memref<128xi32, #tpu.memory_space<hbm>>
      tpu.wait_dma2 semaphore(%run_scoped3A : memref<!tpu.dma_semaphore, #tpu.memory_space<semaphore_mem>>) src(%dma_wait3A_53 : memref<128xi32, #tpu.memory_space<hbm>>) dst(%arg8 : memref<128xi32, #tpu.memory_space<vmem>>)
      tpu.yield
    }) : () -> ()
    %dma_start3A = arith.constant 0 : i32
    %dma_start3A_7 = arith.constant 0 : i32
    %dma_start3A_8 = tpu.memref_slice %arg2[%dma_start3A, %dma_start3A_7] : memref<8192x256xf32, #tpu.memory_space<hbm>> -> memref<8192x256xf32, #tpu.memory_space<hbm>>
    tpu.enqueue_indirect_dma source(%dma_start3A_8 : memref<8192x256xf32, #tpu.memory_space<hbm>>) target(%arg9 : memref<128x256xf32, #tpu.memory_space<vmem>>) offsets(%arg8 : memref<128xi32, #tpu.memory_space<vmem>>) semaphore(%arg12 : memref<!tpu.dma_semaphore, #tpu.memory_space<semaphore_mem>>)
    %dma_wait3A = arith.constant 0 : i32
    %dma_wait3A_9 = arith.constant 0 : i32
    %dma_wait3A_10 = tpu.memref_slice %arg2[%dma_wait3A, %dma_wait3A_9] : memref<8192x256xf32, #tpu.memory_space<hbm>> -> memref<8192x256xf32, #tpu.memory_space<hbm>>
    tpu.wait_indirect_dma semaphore(%arg12 : memref<!tpu.dma_semaphore, #tpu.memory_space<semaphore_mem>>) src(%dma_wait3A_10 : memref<8192x256xf32, #tpu.memory_space<hbm>>) dst(%arg9 : memref<128x256xf32, #tpu.memory_space<vmem>>)
    "tpu.region"() ({
      %run_scoped3A = tpu.sem_alloc : memref<!tpu.dma_semaphore, #tpu.memory_space<semaphore_mem>>
      %dma_start3A_50 = arith.constant 0 : i32
      %dma_start3A_51 = tpu.memref_slice %arg6[%multiple_of3A, %dma_start3A_50] : memref<16384x256xf32, #tpu.memory_space<hbm>> -> memref<128x256xf32, #tpu.memory_space<hbm>>
      %dma_start3A_52 = arith.constant 0 : i32
      %dma_start3A_53 = tpu.memref_slice %arg6[%multiple_of3A, %dma_start3A_52] : memref<16384x256xf32, #tpu.memory_space<hbm>> -> memref<128x256xf32, #tpu.memory_space<hbm>>
      tpu.enqueue_dma source(%arg9 : memref<128x256xf32, #tpu.memory_space<vmem>>) target(%dma_start3A_53 : memref<128x256xf32, #tpu.memory_space<hbm>>) target_semaphore(%run_scoped3A : memref<!tpu.dma_semaphore, #tpu.memory_space<semaphore_mem>>)
      %dma_wait3A_54 = arith.constant 0 : i32
      %dma_wait3A_55 = tpu.memref_slice %arg6[%multiple_of3A, %dma_wait3A_54] : memref<16384x256xf32, #tpu.memory_space<hbm>> -> memref<128x256xf32, #tpu.memory_space<hbm>>
      %dma_wait3A_56 = arith.constant 0 : i32
      %dma_wait3A_57 = tpu.memref_slice %arg6[%multiple_of3A, %dma_wait3A_56] : memref<16384x256xf32, #tpu.memory_space<hbm>> -> memref<128x256xf32, #tpu.memory_space<hbm>>
      tpu.wait_dma2 semaphore(%run_scoped3A : memref<!tpu.dma_semaphore, #tpu.memory_space<semaphore_mem>>) src(%arg9 : memref<128x256xf32, #tpu.memory_space<vmem>>) dst(%dma_wait3A_57 : memref<128x256xf32, #tpu.memory_space<hbm>>)
      tpu.yield
    }) : () -> ()
    "tpu.region"() ({
      %run_scoped3A = tpu.sem_alloc : memref<!tpu.dma_semaphore, #tpu.memory_space<semaphore_mem>>
      %dma_start3A_50 = arith.constant 0 : i32
      %dma_start3A_51 = arith.constant 0 : i32
      %dma_start3A_52 = tpu.memref_slice %arg11[%dma_start3A_50, %dma_start3A_51] : memref<8192x128xf32, #tpu.memory_space<vmem_shared>> -> memref<8192x128xf32, #tpu.memory_space<vmem_shared>>
      tpu.enqueue_indirect_dma source(%arg10 : memref<128x128xf32, #tpu.memory_space<vmem>>) target(%dma_start3A_52 : memref<8192x128xf32, #tpu.memory_space<vmem_shared>>) offsets(%arg8 : memref<128xi32, #tpu.memory_space<vmem>>) semaphore(%run_scoped3A : memref<!tpu.dma_semaphore, #tpu.memory_space<semaphore_mem>>) {add = true}
      %dma_wait3A_53 = arith.constant 0 : i32
      %dma_wait3A_54 = arith.constant 0 : i32
      %dma_wait3A_55 = tpu.memref_slice %arg11[%dma_wait3A_53, %dma_wait3A_54] : memref<8192x128xf32, #tpu.memory_space<vmem_shared>> -> memref<8192x128xf32, #tpu.memory_space<vmem_shared>>
      tpu.wait_indirect_dma semaphore(%run_scoped3A : memref<!tpu.dma_semaphore, #tpu.memory_space<semaphore_mem>>) src(%arg10 : memref<128x128xf32, #tpu.memory_space<vmem>>) dst(%dma_wait3A_55 : memref<8192x128xf32, #tpu.memory_space<vmem_shared>>)
      tpu.yield
    }) : () -> ()
    %mul3A_11 = arith.constant 512 : i32
    %mul3A_12 = arith.muli %add3A, %mul3A_11 : i32
    %add3A_13 = arith.constant 128 : i32
    %add3A_14 = arith.addi %mul3A_12, %add3A_13 : i32
    %multiple_of3A_15 = tpu.assume_multiple %add3A_14, 128 : i32
    "tpu.region"() ({
      %run_scoped3A = tpu.sem_alloc : memref<!tpu.dma_semaphore, #tpu.memory_space<semaphore_mem>>
      %dma_start3A_50 = tpu.memref_slice %arg3[%multiple_of3A_15] : memref<16384xi32, #tpu.memory_space<hbm>> -> memref<128xi32, #tpu.memory_space<hbm>>
      %dma_start3A_51 = tpu.memref_slice %arg3[%multiple_of3A_15] : memref<16384xi32, #tpu.memory_space<hbm>> -> memref<128xi32, #tpu.memory_space<hbm>>
      tpu.enqueue_dma source(%dma_start3A_51 : memref<128xi32, #tpu.memory_space<hbm>>) target(%arg8 : memref<128xi32, #tpu.memory_space<vmem>>) target_semaphore(%run_scoped3A : memref<!tpu.dma_semaphore, #tpu.memory_space<semaphore_mem>>)
      %dma_wait3A_52 = tpu.memref_slice %arg3[%multiple_of3A_15] : memref<16384xi32, #tpu.memory_space<hbm>> -> memref<128xi32, #tpu.memory_space<hbm>>
      %dma_wait3A_53 = tpu.memref_slice %arg3[%multiple_of3A_15] : memref<16384xi32, #tpu.memory_space<hbm>> -> memref<128xi32, #tpu.memory_space<hbm>>
      tpu.wait_dma2 semaphore(%run_scoped3A : memref<!tpu.dma_semaphore, #tpu.memory_space<semaphore_mem>>) src(%dma_wait3A_53 : memref<128xi32, #tpu.memory_space<hbm>>) dst(%arg8 : memref<128xi32, #tpu.memory_space<vmem>>)
      tpu.yield
    }) : () -> ()
    %dma_start3A_16 = arith.constant 0 : i32
    %dma_start3A_17 = arith.constant 0 : i32
    %dma_start3A_18 = tpu.memref_slice %arg2[%dma_start3A_16, %dma_start3A_17] : memref<8192x256xf32, #tpu.memory_space<hbm>> -> memref<8192x256xf32, #tpu.memory_space<hbm>>
    tpu.enqueue_indirect_dma source(%dma_start3A_18 : memref<8192x256xf32, #tpu.memory_space<hbm>>) target(%arg9 : memref<128x256xf32, #tpu.memory_space<vmem>>) offsets(%arg8 : memref<128xi32, #tpu.memory_space<vmem>>) semaphore(%arg12 : memref<!tpu.dma_semaphore, #tpu.memory_space<semaphore_mem>>)
    %dma_wait3A_19 = arith.constant 0 : i32
    %dma_wait3A_20 = arith.constant 0 : i32
    %dma_wait3A_21 = tpu.memref_slice %arg2[%dma_wait3A_19, %dma_wait3A_20] : memref<8192x256xf32, #tpu.memory_space<hbm>> -> memref<8192x256xf32, #tpu.memory_space<hbm>>
    tpu.wait_indirect_dma semaphore(%arg12 : memref<!tpu.dma_semaphore, #tpu.memory_space<semaphore_mem>>) src(%dma_wait3A_21 : memref<8192x256xf32, #tpu.memory_space<hbm>>) dst(%arg9 : memref<128x256xf32, #tpu.memory_space<vmem>>)
    "tpu.region"() ({
      %run_scoped3A = tpu.sem_alloc : memref<!tpu.dma_semaphore, #tpu.memory_space<semaphore_mem>>
      %dma_start3A_50 = arith.constant 0 : i32
      %dma_start3A_51 = tpu.memref_slice %arg6[%multiple_of3A_15, %dma_start3A_50] : memref<16384x256xf32, #tpu.memory_space<hbm>> -> memref<128x256xf32, #tpu.memory_space<hbm>>
      %dma_start3A_52 = arith.constant 0 : i32
      %dma_start3A_53 = tpu.memref_slice %arg6[%multiple_of3A_15, %dma_start3A_52] : memref<16384x256xf32, #tpu.memory_space<hbm>> -> memref<128x256xf32, #tpu.memory_space<hbm>>
      tpu.enqueue_dma source(%arg9 : memref<128x256xf32, #tpu.memory_space<vmem>>) target(%dma_start3A_53 : memref<128x256xf32, #tpu.memory_space<hbm>>) target_semaphore(%run_scoped3A : memref<!tpu.dma_semaphore, #tpu.memory_space<semaphore_mem>>)
      %dma_wait3A_54 = arith.constant 0 : i32
      %dma_wait3A_55 = tpu.memref_slice %arg6[%multiple_of3A_15, %dma_wait3A_54] : memref<16384x256xf32, #tpu.memory_space<hbm>> -> memref<128x256xf32, #tpu.memory_space<hbm>>
      %dma_wait3A_56 = arith.constant 0 : i32
      %dma_wait3A_57 = tpu.memref_slice %arg6[%multiple_of3A_15, %dma_wait3A_56] : memref<16384x256xf32, #tpu.memory_space<hbm>> -> memref<128x256xf32, #tpu.memory_space<hbm>>
      tpu.wait_dma2 semaphore(%run_scoped3A : memref<!tpu.dma_semaphore, #tpu.memory_space<semaphore_mem>>) src(%arg9 : memref<128x256xf32, #tpu.memory_space<vmem>>) dst(%dma_wait3A_57 : memref<128x256xf32, #tpu.memory_space<hbm>>)
      tpu.yield
    }) : () -> ()
    "tpu.region"() ({
      %run_scoped3A = tpu.sem_alloc : memref<!tpu.dma_semaphore, #tpu.memory_space<semaphore_mem>>
      %dma_start3A_50 = arith.constant 0 : i32
      %dma_start3A_51 = arith.constant 0 : i32
      %dma_start3A_52 = tpu.memref_slice %arg11[%dma_start3A_50, %dma_start3A_51] : memref<8192x128xf32, #tpu.memory_space<vmem_shared>> -> memref<8192x128xf32, #tpu.memory_space<vmem_shared>>
      tpu.enqueue_indirect_dma source(%arg10 : memref<128x128xf32, #tpu.memory_space<vmem>>) target(%dma_start3A_52 : memref<8192x128xf32, #tpu.memory_space<vmem_shared>>) offsets(%arg8 : memref<128xi32, #tpu.memory_space<vmem>>) semaphore(%run_scoped3A : memref<!tpu.dma_semaphore, #tpu.memory_space<semaphore_mem>>) {add = true}
      %dma_wait3A_53 = arith.constant 0 : i32
      %dma_wait3A_54 = arith.constant 0 : i32
      %dma_wait3A_55 = tpu.memref_slice %arg11[%dma_wait3A_53, %dma_wait3A_54] : memref<8192x128xf32, #tpu.memory_space<vmem_shared>> -> memref<8192x128xf32, #tpu.memory_space<vmem_shared>>
      tpu.wait_indirect_dma semaphore(%run_scoped3A : memref<!tpu.dma_semaphore, #tpu.memory_space<semaphore_mem>>) src(%arg10 : memref<128x128xf32, #tpu.memory_space<vmem>>) dst(%dma_wait3A_55 : memref<8192x128xf32, #tpu.memory_space<vmem_shared>>)
      tpu.yield
    }) : () -> ()
    %mul3A_22 = arith.constant 512 : i32
    %mul3A_23 = arith.muli %add3A, %mul3A_22 : i32
    %add3A_24 = arith.constant 256 : i32
    %add3A_25 = arith.addi %mul3A_23, %add3A_24 : i32
    %multiple_of3A_26 = tpu.assume_multiple %add3A_25, 128 : i32
    "tpu.region"() ({
      %run_scoped3A = tpu.sem_alloc : memref<!tpu.dma_semaphore, #tpu.memory_space<semaphore_mem>>
      %dma_start3A_50 = tpu.memref_slice %arg3[%multiple_of3A_26] : memref<16384xi32, #tpu.memory_space<hbm>> -> memref<128xi32, #tpu.memory_space<hbm>>
      %dma_start3A_51 = tpu.memref_slice %arg3[%multiple_of3A_26] : memref<16384xi32, #tpu.memory_space<hbm>> -> memref<128xi32, #tpu.memory_space<hbm>>
      tpu.enqueue_dma source(%dma_start3A_51 : memref<128xi32, #tpu.memory_space<hbm>>) target(%arg8 : memref<128xi32, #tpu.memory_space<vmem>>) target_semaphore(%run_scoped3A : memref<!tpu.dma_semaphore, #tpu.memory_space<semaphore_mem>>)
      %dma_wait3A_52 = tpu.memref_slice %arg3[%multiple_of3A_26] : memref<16384xi32, #tpu.memory_space<hbm>> -> memref<128xi32, #tpu.memory_space<hbm>>
      %dma_wait3A_53 = tpu.memref_slice %arg3[%multiple_of3A_26] : memref<16384xi32, #tpu.memory_space<hbm>> -> memref<128xi32, #tpu.memory_space<hbm>>
      tpu.wait_dma2 semaphore(%run_scoped3A : memref<!tpu.dma_semaphore, #tpu.memory_space<semaphore_mem>>) src(%dma_wait3A_53 : memref<128xi32, #tpu.memory_space<hbm>>) dst(%arg8 : memref<128xi32, #tpu.memory_space<vmem>>)
      tpu.yield
    }) : () -> ()
    %dma_start3A_27 = arith.constant 0 : i32
    %dma_start3A_28 = arith.constant 0 : i32
    %dma_start3A_29 = tpu.memref_slice %arg2[%dma_start3A_27, %dma_start3A_28] : memref<8192x256xf32, #tpu.memory_space<hbm>> -> memref<8192x256xf32, #tpu.memory_space<hbm>>
    tpu.enqueue_indirect_dma source(%dma_start3A_29 : memref<8192x256xf32, #tpu.memory_space<hbm>>) target(%arg9 : memref<128x256xf32, #tpu.memory_space<vmem>>) offsets(%arg8 : memref<128xi32, #tpu.memory_space<vmem>>) semaphore(%arg12 : memref<!tpu.dma_semaphore, #tpu.memory_space<semaphore_mem>>)
    %dma_wait3A_30 = arith.constant 0 : i32
    %dma_wait3A_31 = arith.constant 0 : i32
    %dma_wait3A_32 = tpu.memref_slice %arg2[%dma_wait3A_30, %dma_wait3A_31] : memref<8192x256xf32, #tpu.memory_space<hbm>> -> memref<8192x256xf32, #tpu.memory_space<hbm>>
    tpu.wait_indirect_dma semaphore(%arg12 : memref<!tpu.dma_semaphore, #tpu.memory_space<semaphore_mem>>) src(%dma_wait3A_32 : memref<8192x256xf32, #tpu.memory_space<hbm>>) dst(%arg9 : memref<128x256xf32, #tpu.memory_space<vmem>>)
    "tpu.region"() ({
      %run_scoped3A = tpu.sem_alloc : memref<!tpu.dma_semaphore, #tpu.memory_space<semaphore_mem>>
      %dma_start3A_50 = arith.constant 0 : i32
      %dma_start3A_51 = tpu.memref_slice %arg6[%multiple_of3A_26, %dma_start3A_50] : memref<16384x256xf32, #tpu.memory_space<hbm>> -> memref<128x256xf32, #tpu.memory_space<hbm>>
      %dma_start3A_52 = arith.constant 0 : i32
      %dma_start3A_53 = tpu.memref_slice %arg6[%multiple_of3A_26, %dma_start3A_52] : memref<16384x256xf32, #tpu.memory_space<hbm>> -> memref<128x256xf32, #tpu.memory_space<hbm>>
      tpu.enqueue_dma source(%arg9 : memref<128x256xf32, #tpu.memory_space<vmem>>) target(%dma_start3A_53 : memref<128x256xf32, #tpu.memory_space<hbm>>) target_semaphore(%run_scoped3A : memref<!tpu.dma_semaphore, #tpu.memory_space<semaphore_mem>>)
      %dma_wait3A_54 = arith.constant 0 : i32
      %dma_wait3A_55 = tpu.memref_slice %arg6[%multiple_of3A_26, %dma_wait3A_54] : memref<16384x256xf32, #tpu.memory_space<hbm>> -> memref<128x256xf32, #tpu.memory_space<hbm>>
      %dma_wait3A_56 = arith.constant 0 : i32
      %dma_wait3A_57 = tpu.memref_slice %arg6[%multiple_of3A_26, %dma_wait3A_56] : memref<16384x256xf32, #tpu.memory_space<hbm>> -> memref<128x256xf32, #tpu.memory_space<hbm>>
      tpu.wait_dma2 semaphore(%run_scoped3A : memref<!tpu.dma_semaphore, #tpu.memory_space<semaphore_mem>>) src(%arg9 : memref<128x256xf32, #tpu.memory_space<vmem>>) dst(%dma_wait3A_57 : memref<128x256xf32, #tpu.memory_space<hbm>>)
      tpu.yield
    }) : () -> ()
    "tpu.region"() ({
      %run_scoped3A = tpu.sem_alloc : memref<!tpu.dma_semaphore, #tpu.memory_space<semaphore_mem>>
      %dma_start3A_50 = arith.constant 0 : i32
      %dma_start3A_51 = arith.constant 0 : i32
      %dma_start3A_52 = tpu.memref_slice %arg11[%dma_start3A_50, %dma_start3A_51] : memref<8192x128xf32, #tpu.memory_space<vmem_shared>> -> memref<8192x128xf32, #tpu.memory_space<vmem_shared>>
      tpu.enqueue_indirect_dma source(%arg10 : memref<128x128xf32, #tpu.memory_space<vmem>>) target(%dma_start3A_52 : memref<8192x128xf32, #tpu.memory_space<vmem_shared>>) offsets(%arg8 : memref<128xi32, #tpu.memory_space<vmem>>) semaphore(%run_scoped3A : memref<!tpu.dma_semaphore, #tpu.memory_space<semaphore_mem>>) {add = true}
      %dma_wait3A_53 = arith.constant 0 : i32
      %dma_wait3A_54 = arith.constant 0 : i32
      %dma_wait3A_55 = tpu.memref_slice %arg11[%dma_wait3A_53, %dma_wait3A_54] : memref<8192x128xf32, #tpu.memory_space<vmem_shared>> -> memref<8192x128xf32, #tpu.memory_space<vmem_shared>>
      tpu.wait_indirect_dma semaphore(%run_scoped3A : memref<!tpu.dma_semaphore, #tpu.memory_space<semaphore_mem>>) src(%arg10 : memref<128x128xf32, #tpu.memory_space<vmem>>) dst(%dma_wait3A_55 : memref<8192x128xf32, #tpu.memory_space<vmem_shared>>)
      tpu.yield
    }) : () -> ()
    %mul3A_33 = arith.constant 512 : i32
    %mul3A_34 = arith.muli %add3A, %mul3A_33 : i32
    %add3A_35 = arith.constant 384 : i32
    %add3A_36 = arith.addi %mul3A_34, %add3A_35 : i32
    %multiple_of3A_37 = tpu.assume_multiple %add3A_36, 128 : i32
    "tpu.region"() ({
      %run_scoped3A = tpu.sem_alloc : memref<!tpu.dma_semaphore, #tpu.memory_space<semaphore_mem>>
      %dma_start3A_50 = tpu.memref_slice %arg3[%multiple_of3A_37] : memref<16384xi32, #tpu.memory_space<hbm>> -> memref<128xi32, #tpu.memory_space<hbm>>
      %dma_start3A_51 = tpu.memref_slice %arg3[%multiple_of3A_37] : memref<16384xi32, #tpu.memory_space<hbm>> -> memref<128xi32, #tpu.memory_space<hbm>>
      tpu.enqueue_dma source(%dma_start3A_51 : memref<128xi32, #tpu.memory_space<hbm>>) target(%arg8 : memref<128xi32, #tpu.memory_space<vmem>>) target_semaphore(%run_scoped3A : memref<!tpu.dma_semaphore, #tpu.memory_space<semaphore_mem>>)
      %dma_wait3A_52 = tpu.memref_slice %arg3[%multiple_of3A_37] : memref<16384xi32, #tpu.memory_space<hbm>> -> memref<128xi32, #tpu.memory_space<hbm>>
      %dma_wait3A_53 = tpu.memref_slice %arg3[%multiple_of3A_37] : memref<16384xi32, #tpu.memory_space<hbm>> -> memref<128xi32, #tpu.memory_space<hbm>>
      tpu.wait_dma2 semaphore(%run_scoped3A : memref<!tpu.dma_semaphore, #tpu.memory_space<semaphore_mem>>) src(%dma_wait3A_53 : memref<128xi32, #tpu.memory_space<hbm>>) dst(%arg8 : memref<128xi32, #tpu.memory_space<vmem>>)
      tpu.yield
    }) : () -> ()
    %dma_start3A_38 = arith.constant 0 : i32
    %dma_start3A_39 = arith.constant 0 : i32
    %dma_start3A_40 = tpu.memref_slice %arg2[%dma_start3A_38, %dma_start3A_39] : memref<8192x256xf32, #tpu.memory_space<hbm>> -> memref<8192x256xf32, #tpu.memory_space<hbm>>
    tpu.enqueue_indirect_dma source(%dma_start3A_40 : memref<8192x256xf32, #tpu.memory_space<hbm>>) target(%arg9 : memref<128x256xf32, #tpu.memory_space<vmem>>) offsets(%arg8 : memref<128xi32, #tpu.memory_space<vmem>>) semaphore(%arg12 : memref<!tpu.dma_semaphore, #tpu.memory_space<semaphore_mem>>)
    %dma_wait3A_41 = arith.constant 0 : i32
    %dma_wait3A_42 = arith.constant 0 : i32
    %dma_wait3A_43 = tpu.memref_slice %arg2[%dma_wait3A_41, %dma_wait3A_42] : memref<8192x256xf32, #tpu.memory_space<hbm>> -> memref<8192x256xf32, #tpu.memory_space<hbm>>
    tpu.wait_indirect_dma semaphore(%arg12 : memref<!tpu.dma_semaphore, #tpu.memory_space<semaphore_mem>>) src(%dma_wait3A_43 : memref<8192x256xf32, #tpu.memory_space<hbm>>) dst(%arg9 : memref<128x256xf32, #tpu.memory_space<vmem>>)
    "tpu.region"() ({
      %run_scoped3A = tpu.sem_alloc : memref<!tpu.dma_semaphore, #tpu.memory_space<semaphore_mem>>
      %dma_start3A_50 = arith.constant 0 : i32
      %dma_start3A_51 = tpu.memref_slice %arg6[%multiple_of3A_37, %dma_start3A_50] : memref<16384x256xf32, #tpu.memory_space<hbm>> -> memref<128x256xf32, #tpu.memory_space<hbm>>
      %dma_start3A_52 = arith.constant 0 : i32
      %dma_start3A_53 = tpu.memref_slice %arg6[%multiple_of3A_37, %dma_start3A_52] : memref<16384x256xf32, #tpu.memory_space<hbm>> -> memref<128x256xf32, #tpu.memory_space<hbm>>
      tpu.enqueue_dma source(%arg9 : memref<128x256xf32, #tpu.memory_space<vmem>>) target(%dma_start3A_53 : memref<128x256xf32, #tpu.memory_space<hbm>>) target_semaphore(%run_scoped3A : memref<!tpu.dma_semaphore, #tpu.memory_space<semaphore_mem>>)
      %dma_wait3A_54 = arith.constant 0 : i32
      %dma_wait3A_55 = tpu.memref_slice %arg6[%multiple_of3A_37, %dma_wait3A_54] : memref<16384x256xf32, #tpu.memory_space<hbm>> -> memref<128x256xf32, #tpu.memory_space<hbm>>
      %dma_wait3A_56 = arith.constant 0 : i32
      %dma_wait3A_57 = tpu.memref_slice %arg6[%multiple_of3A_37, %dma_wait3A_56] : memref<16384x256xf32, #tpu.memory_space<hbm>> -> memref<128x256xf32, #tpu.memory_space<hbm>>
      tpu.wait_dma2 semaphore(%run_scoped3A : memref<!tpu.dma_semaphore, #tpu.memory_space<semaphore_mem>>) src(%arg9 : memref<128x256xf32, #tpu.memory_space<vmem>>) dst(%dma_wait3A_57 : memref<128x256xf32, #tpu.memory_space<hbm>>)
      tpu.yield
    }) : () -> ()
    "tpu.region"() ({
      %run_scoped3A = tpu.sem_alloc : memref<!tpu.dma_semaphore, #tpu.memory_space<semaphore_mem>>
      %dma_start3A_50 = arith.constant 0 : i32
      %dma_start3A_51 = arith.constant 0 : i32
      %dma_start3A_52 = tpu.memref_slice %arg11[%dma_start3A_50, %dma_start3A_51] : memref<8192x128xf32, #tpu.memory_space<vmem_shared>> -> memref<8192x128xf32, #tpu.memory_space<vmem_shared>>
      tpu.enqueue_indirect_dma source(%arg10 : memref<128x128xf32, #tpu.memory_space<vmem>>) target(%dma_start3A_52 : memref<8192x128xf32, #tpu.memory_space<vmem_shared>>) offsets(%arg8 : memref<128xi32, #tpu.memory_space<vmem>>) semaphore(%run_scoped3A : memref<!tpu.dma_semaphore, #tpu.memory_space<semaphore_mem>>) {add = true}
      %dma_wait3A_53 = arith.constant 0 : i32
      %dma_wait3A_54 = arith.constant 0 : i32
      %dma_wait3A_55 = tpu.memref_slice %arg11[%dma_wait3A_53, %dma_wait3A_54] : memref<8192x128xf32, #tpu.memory_space<vmem_shared>> -> memref<8192x128xf32, #tpu.memory_space<vmem_shared>>
      tpu.wait_indirect_dma semaphore(%run_scoped3A : memref<!tpu.dma_semaphore, #tpu.memory_space<semaphore_mem>>) src(%arg10 : memref<128x128xf32, #tpu.memory_space<vmem>>) dst(%dma_wait3A_55 : memref<8192x128xf32, #tpu.memory_space<vmem_shared>>)
      tpu.yield
    }) : () -> ()
    %barrier3A_44 = arith.constant 0 : index
    tpu.barrier barrier_id(%barrier3A_44)
    %eq3A_45 = arith.constant 0 : i32
    %eq3A_46 = arith.cmpi eq, %arg1, %eq3A_45 : i32
    %convert_element_type3A_47 = arith.extui %eq3A_46 : i1 to i32
    %cond3A_48 = arith.constant 0 : i32
    %cond3A_49 = arith.cmpi ne, %convert_element_type3A_47, %cond3A_48 : i32
    scf.if %cond3A_49 {
      "tpu.region"() ({
        %run_scoped3A = tpu.sem_alloc : memref<!tpu.dma_semaphore, #tpu.memory_space<semaphore_mem>>
        %dma_start3A_50 = arith.constant 0 : i32
        %dma_start3A_51 = arith.constant 0 : i32
        %dma_start3A_52 = tpu.memref_slice %arg7[%arg0, %dma_start3A_50, %dma_start3A_51] : memref<2x8192x128xf32, #tpu.memory_space<hbm>> -> memref<1x8192x128xf32, #tpu.memory_space<hbm>>
        %dma_start3A_53 = tpu.memref_squeeze %dma_start3A_52 : memref<1x8192x128xf32, #tpu.memory_space<hbm>> -> memref<8192x128xf32, #tpu.memory_space<hbm>>
        tpu.enqueue_dma source(%arg11 : memref<8192x128xf32, #tpu.memory_space<vmem_shared>>) target(%dma_start3A_53 : memref<8192x128xf32, #tpu.memory_space<hbm>>) target_semaphore(%run_scoped3A : memref<!tpu.dma_semaphore, #tpu.memory_space<semaphore_mem>>)
        %dma_wait3A_54 = arith.constant 0 : i32
        %dma_wait3A_55 = arith.constant 0 : i32
        %dma_wait3A_56 = tpu.memref_slice %arg7[%arg0, %dma_wait3A_54, %dma_wait3A_55] : memref<2x8192x128xf32, #tpu.memory_space<hbm>> -> memref<1x8192x128xf32, #tpu.memory_space<hbm>>
        %dma_wait3A_57 = tpu.memref_squeeze %dma_wait3A_56 : memref<1x8192x128xf32, #tpu.memory_space<hbm>> -> memref<8192x128xf32, #tpu.memory_space<hbm>>
        tpu.wait_dma2 semaphore(%run_scoped3A : memref<!tpu.dma_semaphore, #tpu.memory_space<semaphore_mem>>) src(%arg11 : memref<8192x128xf32, #tpu.memory_space<vmem_shared>>) dst(%dma_wait3A_57 : memref<8192x128xf32, #tpu.memory_space<hbm>>)
        tpu.yield
      }) : () -> ()
    } else {
    }
    return
  }
}

module attributes {stable_mosaic.version = 14 : i64} {
  func.func @_finalize_body(%arg0: memref<2x8192x128xf32, #tpu.memory_space<vmem>>, %arg1: memref<16x1x1024xf32, #tpu.memory_space<vmem>>, %arg2: memref<1x1xf32, #tpu.memory_space<smem>>, %arg3: memref<1x1xf32, #tpu.memory_space<smem>>) attributes {dimension_semantics = [], scalar_prefetch = 0 : i64, scratch_operands = 0 : i64, tpu.core_type = #tpu.core_type<tc>} {
    %get3A = arith.constant 0 : index
    %get3A_0 = arith.constant 0 : index
    %get3A_1 = arith.constant 0 : index
    %get3A_2 = vector.load %arg0[%get3A, %get3A_0, %get3A_1] : memref<2x8192x128xf32, #tpu.memory_space<vmem>>, vector<1x8192x1xf32>
    %get3A_3 = vector.shape_cast %get3A_2 : vector<1x8192x1xf32> to vector<8192xf32>
    %get3A_4 = arith.constant 1 : index
    %get3A_5 = arith.constant 0 : index
    %get3A_6 = arith.constant 0 : index
    %get3A_7 = vector.load %arg0[%get3A_4, %get3A_5, %get3A_6] : memref<2x8192x128xf32, #tpu.memory_space<vmem>>, vector<1x8192x1xf32>
    %get3A_8 = vector.shape_cast %get3A_7 : vector<1x8192x1xf32> to vector<8192xf32>
    %add3A = arith.addf %get3A_3, %get3A_8 : vector<8192xf32>
    %mul3A = arith.constant 6.10351563E-5 : f32
    %mul3A_9 = vector.broadcast %mul3A : f32 to vector<8192xf32>
    %mul3A_10 = arith.mulf %add3A, %mul3A_9 : vector<8192xf32>
    %add3A_11 = arith.constant 1.000000e-10 : f32
    %add3A_12 = vector.broadcast %add3A_11 : f32 to vector<8192xf32>
    %add3A_13 = arith.addf %mul3A_10, %add3A_12 : vector<8192xf32>
    %log3A = math.log %add3A_13 : vector<8192xf32>
    %mul3A_14 = arith.mulf %mul3A_10, %log3A : vector<8192xf32>
    %reduce_sum3A = vector.shape_cast %mul3A_14 : vector<8192xf32> to vector<1x8192xf32>
    %reduce_sum3A_15 = arith.constant dense<0.000000e+00> : vector<1xf32>
    %reduce_sum3A_16 = vector.multi_reduction <add>, %reduce_sum3A, %reduce_sum3A_15 [1] : vector<1x8192xf32> to vector<1xf32>
    %reduce_sum3A_17 = vector.shape_cast %reduce_sum3A_16 : vector<1xf32> to vector<1x1xf32>
    %reduce_sum3A_18 = vector.extract %reduce_sum3A_17[0, 0] : f32 from vector<1x1xf32>
    %neg3A = arith.constant 0.000000e+00 : f32
    %neg3A_19 = arith.subf %neg3A, %reduce_sum3A_18 : f32
    %exp3A = math.exp %neg3A_19 : f32
    %swap3A = arith.constant 0 : index
    %swap3A_20 = arith.constant 0 : index
    %swap3A_21 = memref.load %arg3[%swap3A, %swap3A_20] : memref<1x1xf32, #tpu.memory_space<smem>>
    memref.store %exp3A, %arg3[%swap3A, %swap3A_20] : memref<1x1xf32, #tpu.memory_space<smem>>
    %get3A_22 = arith.constant 0 : index
    %get3A_23 = arith.constant 0 : index
    %get3A_24 = arith.constant 0 : index
    %get3A_25 = vector.load %arg1[%get3A_22, %get3A_23, %get3A_24] : memref<16x1x1024xf32, #tpu.memory_space<vmem>>, vector<16x1x1024xf32>
    %reduce_sum3A_26 = vector.shape_cast %get3A_25 : vector<16x1x1024xf32> to vector<1x16x1x1024xf32>
    %reduce_sum3A_27 = arith.constant dense<0.000000e+00> : vector<1xf32>
    %reduce_sum3A_28 = vector.multi_reduction <add>, %reduce_sum3A_26, %reduce_sum3A_27 [1, 2, 3] : vector<1x16x1x1024xf32> to vector<1xf32>
    %reduce_sum3A_29 = vector.shape_cast %reduce_sum3A_28 : vector<1xf32> to vector<1x1x1x1xf32>
    %reduce_sum3A_30 = vector.extract %reduce_sum3A_29[0, 0, 0, 0] : f32 from vector<1x1x1x1xf32>
    %mul3A_31 = arith.constant 1.250000e+00 : f32
    %mul3A_32 = arith.mulf %mul3A_31, %reduce_sum3A_30 : f32
    %div3A = arith.constant 0x4A800000 : f32
    %div3A_33 = arith.divf %mul3A_32, %div3A : f32
    %swap3A_34 = arith.constant 0 : index
    %swap3A_35 = arith.constant 0 : index
    %swap3A_36 = memref.load %arg2[%swap3A_34, %swap3A_35] : memref<1x1xf32, #tpu.memory_space<smem>>
    memref.store %div3A_33, %arg2[%swap3A_34, %swap3A_35] : memref<1x1xf32, #tpu.memory_space<smem>>
    return
  }
}

module attributes {stable_mosaic.version = 14 : i64} {
  func.func @_argmin_body(%arg0: i32, %arg1: i32, %arg2: memref<8x256x1024xf32, #tpu.memory_space<vmem>>, %arg3: memref<512x256xf32, #tpu.memory_space<vmem>>, %arg4: memref<8x1x1024xi32, #tpu.memory_space<vmem>>, %arg5: memref<8x1x1024xf32, #tpu.memory_space<vmem>>, %arg6: memref<8x1024xf32, #tpu.memory_space<vmem>>, %arg7: memref<8x1024xi32, #tpu.memory_space<vmem>>) attributes {dimension_semantics = [#tpu.dimension_semantics<arbitrary>, #tpu.dimension_semantics<arbitrary>], iteration_bounds = array<i64: 2, 16>, scalar_prefetch = 0 : i64, scratch_operands = 2 : i64, tpu.core_type = #tpu.core_type<tc>, window_params = [{transform_indices = @transform_0, window_bounds = array<i64: 8, 256, 1024>}, {transform_indices = @transform_1, window_bounds = array<i64: 512, 256>}, {transform_indices = @transform_2, window_bounds = array<i64: 8, 1, 1024>}, {transform_indices = @transform_3, window_bounds = array<i64: 8, 1, 1024>}]} {
    %get3A = arith.constant 0 : index
    %get3A_0 = arith.constant 0 : index
    %get3A_1 = vector.load %arg3[%get3A, %get3A_0] : memref<512x256xf32, #tpu.memory_space<vmem>>, vector<512x256xf32>
    %mul3A = arith.mulf %get3A_1, %get3A_1 : vector<512x256xf32>
    %reduce_sum3A = arith.constant dense<0.000000e+00> : vector<512xf32>
    %reduce_sum3A_2 = vector.multi_reduction <add>, %mul3A, %reduce_sum3A [1] : vector<512x256xf32> to vector<512xf32>
    %get3A_3 = arith.constant 0 : index
    %get3A_4 = arith.constant 0 : index
    %get3A_5 = arith.constant 0 : index
    %get3A_6 = vector.load %arg2[%get3A_3, %get3A_4, %get3A_5] : memref<8x256x1024xf32, #tpu.memory_space<vmem>>, vector<1x256x1024xf32>
    %get3A_7 = vector.shape_cast %get3A_6 : vector<1x256x1024xf32> to vector<256x1024xf32>
    %mul3A_8 = arith.mulf %get3A_7, %get3A_7 : vector<256x1024xf32>
    %reduce_sum3A_9 = arith.constant dense<0.000000e+00> : vector<1024xf32>
    %reduce_sum3A_10 = vector.multi_reduction <add>, %mul3A_8, %reduce_sum3A_9 [0] : vector<256x1024xf32> to vector<1024xf32>
    %dot_general3A = arith.constant dense<0.000000e+00> : vector<512x1024xf32>
    %dot_general3A_11 = tpu.matmul %get3A_1, %get3A_7, %dot_general3A {dimension_numbers = #tpu.dot_dimension_numbers<[1], [0], [0], [1], [0, 0, 1, 1], [], []>, transpose_lhs_hint = false} : vector<512x256xf32>, vector<256x1024xf32>, vector<512x1024xf32> -> vector<512x1024xf32>
    %broadcast_in_dim3A = vector.shape_cast %reduce_sum3A_10 : vector<1024xf32> to vector<1x1024xf32>
    %broadcast_in_dim3A_12 = vector.shape_cast %reduce_sum3A_2 : vector<512xf32> to vector<512x1xf32>
    %add3A = vector.broadcast %broadcast_in_dim3A : vector<1x1024xf32> to vector<512x1024xf32>
    %add3A_13 = vector.broadcast %broadcast_in_dim3A_12 : vector<512x1xf32> to vector<512x1024xf32>
    %add3A_14 = arith.addf %add3A, %add3A_13 : vector<512x1024xf32>
    %mul3A_15 = arith.constant 2.000000e+00 : f32
    %mul3A_16 = vector.broadcast %mul3A_15 : f32 to vector<512x1024xf32>
    %mul3A_17 = arith.mulf %mul3A_16, %dot_general3A_11 : vector<512x1024xf32>
    %sub3A = arith.subf %add3A_14, %mul3A_17 : vector<512x1024xf32>
    %reduce_min3A = arith.constant dense<0x7F800000> : vector<1024xf32>
    %reduce_min3A_18 = vector.multi_reduction <minimumf>, %sub3A, %reduce_min3A [0] : vector<512x1024xf32> to vector<1024xf32>
    %iota3A = tpu.iota {dimensions = array<i32: 0>} : vector<512x1024xi32>
    %broadcast_in_dim3A_19 = vector.shape_cast %reduce_min3A_18 : vector<1024xf32> to vector<1x1024xf32>
    %eq3A = vector.broadcast %broadcast_in_dim3A_19 : vector<1x1024xf32> to vector<512x1024xf32>
    %eq3A_20 = arith.cmpf oeq, %sub3A, %eq3A : vector<512x1024xf32>
    %jit3A = arith.constant 512 : i32
    %broadcast_in_dim3A_21 = vector.broadcast %jit3A : i32 to vector<512x1024xi32>
    %select_n3A = arith.select %eq3A_20, %iota3A, %broadcast_in_dim3A_21 : vector<512x1024xi1>, vector<512x1024xi32>
    %reduce_min3A_22 = arith.constant dense<2147483647> : vector<1024xi32>
    %reduce_min3A_23 = vector.multi_reduction <minsi>, %select_n3A, %reduce_min3A_22 [0] : vector<512x1024xi32> to vector<1024xi32>
    %mul3A_24 = arith.constant 512 : i32
    %mul3A_25 = arith.muli %arg1, %mul3A_24 : i32
    %add3A_26 = vector.broadcast %mul3A_25 : i32 to vector<1024xi32>
    %add3A_27 = arith.addi %reduce_min3A_23, %add3A_26 : vector<1024xi32>
    %eq3A_28 = arith.constant 0 : i32
    %eq3A_29 = arith.cmpi eq, %arg1, %eq3A_28 : i32
    %convert_element_type3A = arith.extui %eq3A_29 : i1 to i32
    %cond3A = arith.constant 0 : i32
    %cond3A_30 = arith.cmpi ne, %convert_element_type3A, %cond3A : i32
    scf.if %cond3A_30 {
      %swap3A = arith.constant 0 : index
      %swap3A_383 = arith.constant 0 : index
      %swap3A_384 = vector.load %arg6[%swap3A, %swap3A_383] : memref<8x1024xf32, #tpu.memory_space<vmem>>, vector<1x1024xf32>
      %swap3A_385 = vector.shape_cast %swap3A_384 : vector<1x1024xf32> to vector<1024xf32>
      %swap3A_386 = vector.shape_cast %reduce_min3A_18 : vector<1024xf32> to vector<1x1024xf32>
      tpu.vector_store %arg6[%swap3A, %swap3A_383], %swap3A_386 {strides = array<i32>} : memref<8x1024xf32, #tpu.memory_space<vmem>>, vector<1x1024xf32>,
      %swap3A_387 = arith.constant 0 : index
      %swap3A_388 = arith.constant 0 : index
      %swap3A_389 = vector.load %arg7[%swap3A_387, %swap3A_388] : memref<8x1024xi32, #tpu.memory_space<vmem>>, vector<1x1024xi32>
      %swap3A_390 = vector.shape_cast %swap3A_389 : vector<1x1024xi32> to vector<1024xi32>
      %swap3A_391 = vector.shape_cast %add3A_27 : vector<1024xi32> to vector<1x1024xi32>
      tpu.vector_store %arg7[%swap3A_387, %swap3A_388], %swap3A_391 {strides = array<i32>} : memref<8x1024xi32, #tpu.memory_space<vmem>>, vector<1x1024xi32>,
    } else {
    }
    %gt3A = arith.constant 0 : i32
    %gt3A_31 = arith.cmpi sgt, %arg1, %gt3A : i32
    %convert_element_type3A_32 = arith.extui %gt3A_31 : i1 to i32
    %cond3A_33 = arith.constant 0 : i32
    %cond3A_34 = arith.cmpi ne, %convert_element_type3A_32, %cond3A_33 : i32
    scf.if %cond3A_34 {
      %get3A_383 = arith.constant 0 : index
      %get3A_384 = arith.constant 0 : index
      %get3A_385 = vector.load %arg6[%get3A_383, %get3A_384] : memref<8x1024xf32, #tpu.memory_space<vmem>>, vector<1x1024xf32>
      %get3A_386 = vector.shape_cast %get3A_385 : vector<1x1024xf32> to vector<1024xf32>
      %lt3A = arith.cmpf olt, %reduce_min3A_18, %get3A_386 : vector<1024xf32>
      %select_n3A_387 = arith.select %lt3A, %reduce_min3A_18, %get3A_386 : vector<1024xi1>, vector<1024xf32>
      %swap3A = arith.constant 0 : index
      %swap3A_388 = arith.constant 0 : index
      %swap3A_389 = vector.load %arg6[%swap3A, %swap3A_388] : memref<8x1024xf32, #tpu.memory_space<vmem>>, vector<1x1024xf32>
      %swap3A_390 = vector.shape_cast %swap3A_389 : vector<1x1024xf32> to vector<1024xf32>
      %swap3A_391 = vector.shape_cast %select_n3A_387 : vector<1024xf32> to vector<1x1024xf32>
      tpu.vector_store %arg6[%swap3A, %swap3A_388], %swap3A_391 {strides = array<i32>} : memref<8x1024xf32, #tpu.memory_space<vmem>>, vector<1x1024xf32>,
      %get3A_392 = arith.constant 0 : index
      %get3A_393 = arith.constant 0 : index
      %get3A_394 = vector.load %arg7[%get3A_392, %get3A_393] : memref<8x1024xi32, #tpu.memory_space<vmem>>, vector<1x1024xi32>
      %get3A_395 = vector.shape_cast %get3A_394 : vector<1x1024xi32> to vector<1024xi32>
      %select_n3A_396 = arith.select %lt3A, %add3A_27, %get3A_395 : vector<1024xi1>, vector<1024xi32>
      %swap3A_397 = arith.constant 0 : index
      %swap3A_398 = arith.constant 0 : index
      %swap3A_399 = vector.load %arg7[%swap3A_397, %swap3A_398] : memref<8x1024xi32, #tpu.memory_space<vmem>>, vector<1x1024xi32>
      %swap3A_400 = vector.shape_cast %swap3A_399 : vector<1x1024xi32> to vector<1024xi32>
      %swap3A_401 = vector.shape_cast %select_n3A_396 : vector<1024xi32> to vector<1x1024xi32>
      tpu.vector_store %arg7[%swap3A_397, %swap3A_398], %swap3A_401 {strides = array<i32>} : memref<8x1024xi32, #tpu.memory_space<vmem>>, vector<1x1024xi32>,
    } else {
    }
    %eq3A_35 = arith.constant 15 : i32
    %eq3A_36 = arith.cmpi eq, %arg1, %eq3A_35 : i32
    %convert_element_type3A_37 = arith.extui %eq3A_36 : i1 to i32
    %cond3A_38 = arith.constant 0 : i32
    %cond3A_39 = arith.cmpi ne, %convert_element_type3A_37, %cond3A_38 : i32
    scf.if %cond3A_39 {
      %get3A_383 = arith.constant 0 : index
      %get3A_384 = arith.constant 0 : index
      %get3A_385 = vector.load %arg7[%get3A_383, %get3A_384] : memref<8x1024xi32, #tpu.memory_space<vmem>>, vector<1x1024xi32>
      %get3A_386 = vector.shape_cast %get3A_385 : vector<1x1024xi32> to vector<1024xi32>
      %swap3A = arith.constant 0 : index
      %swap3A_387 = arith.constant 0 : index
      %swap3A_388 = arith.constant 0 : index
      %swap3A_389 = vector.load %arg4[%swap3A, %swap3A_387, %swap3A_388] : memref<8x1x1024xi32, #tpu.memory_space<vmem>>, vector<1x1x1024xi32>
      %swap3A_390 = vector.shape_cast %swap3A_389 : vector<1x1x1024xi32> to vector<1024xi32>
      %swap3A_391 = vector.shape_cast %get3A_386 : vector<1024xi32> to vector<1x1x1024xi32>
      tpu.vector_store %arg4[%swap3A, %swap3A_387, %swap3A_388], %swap3A_391 {strides = array<i32>} : memref<8x1x1024xi32, #tpu.memory_space<vmem>>, vector<1x1x1024xi32>,
      %get3A_392 = arith.constant 0 : index
      %get3A_393 = arith.constant 0 : index
      %get3A_394 = vector.load %arg6[%get3A_392, %get3A_393] : memref<8x1024xf32, #tpu.memory_space<vmem>>, vector<1x1024xf32>
      %get3A_395 = vector.shape_cast %get3A_394 : vector<1x1024xf32> to vector<1024xf32>
      %swap3A_396 = arith.constant 0 : index
      %swap3A_397 = arith.constant 0 : index
      %swap3A_398 = arith.constant 0 : index
      %swap3A_399 = vector.load %arg5[%swap3A_396, %swap3A_397, %swap3A_398] : memref<8x1x1024xf32, #tpu.memory_space<vmem>>, vector<1x1x1024xf32>
      %swap3A_400 = vector.shape_cast %swap3A_399 : vector<1x1x1024xf32> to vector<1024xf32>
      %swap3A_401 = vector.shape_cast %get3A_395 : vector<1024xf32> to vector<1x1x1024xf32>
      tpu.vector_store %arg5[%swap3A_396, %swap3A_397, %swap3A_398], %swap3A_401 {strides = array<i32>} : memref<8x1x1024xf32, #tpu.memory_space<vmem>>, vector<1x1x1024xf32>,
    } else {
    }
    %get3A_40 = arith.constant 1 : index
    %get3A_41 = arith.constant 0 : index
    %get3A_42 = arith.constant 0 : index
    %get3A_43 = vector.load %arg2[%get3A_40, %get3A_41, %get3A_42] : memref<8x256x1024xf32, #tpu.memory_space<vmem>>, vector<1x256x1024xf32>
    %get3A_44 = vector.shape_cast %get3A_43 : vector<1x256x1024xf32> to vector<256x1024xf32>
    %mul3A_45 = arith.mulf %get3A_44, %get3A_44 : vector<256x1024xf32>
    %reduce_sum3A_46 = arith.constant dense<0.000000e+00> : vector<1024xf32>
    %reduce_sum3A_47 = vector.multi_reduction <add>, %mul3A_45, %reduce_sum3A_46 [0] : vector<256x1024xf32> to vector<1024xf32>
    %dot_general3A_48 = arith.constant dense<0.000000e+00> : vector<512x1024xf32>
    %dot_general3A_49 = tpu.matmul %get3A_1, %get3A_44, %dot_general3A_48 {dimension_numbers = #tpu.dot_dimension_numbers<[1], [0], [0], [1], [0, 0, 1, 1], [], []>, transpose_lhs_hint = false} : vector<512x256xf32>, vector<256x1024xf32>, vector<512x1024xf32> -> vector<512x1024xf32>
    %broadcast_in_dim3A_50 = vector.shape_cast %reduce_sum3A_47 : vector<1024xf32> to vector<1x1024xf32>
    %broadcast_in_dim3A_51 = vector.shape_cast %reduce_sum3A_2 : vector<512xf32> to vector<512x1xf32>
    %add3A_52 = vector.broadcast %broadcast_in_dim3A_50 : vector<1x1024xf32> to vector<512x1024xf32>
    %add3A_53 = vector.broadcast %broadcast_in_dim3A_51 : vector<512x1xf32> to vector<512x1024xf32>
    %add3A_54 = arith.addf %add3A_52, %add3A_53 : vector<512x1024xf32>
    %mul3A_55 = arith.constant 2.000000e+00 : f32
    %mul3A_56 = vector.broadcast %mul3A_55 : f32 to vector<512x1024xf32>
    %mul3A_57 = arith.mulf %mul3A_56, %dot_general3A_49 : vector<512x1024xf32>
    %sub3A_58 = arith.subf %add3A_54, %mul3A_57 : vector<512x1024xf32>
    %reduce_min3A_59 = arith.constant dense<0x7F800000> : vector<1024xf32>
    %reduce_min3A_60 = vector.multi_reduction <minimumf>, %sub3A_58, %reduce_min3A_59 [0] : vector<512x1024xf32> to vector<1024xf32>
    %iota3A_61 = tpu.iota {dimensions = array<i32: 0>} : vector<512x1024xi32>
    %broadcast_in_dim3A_62 = vector.shape_cast %reduce_min3A_60 : vector<1024xf32> to vector<1x1024xf32>
    %eq3A_63 = vector.broadcast %broadcast_in_dim3A_62 : vector<1x1024xf32> to vector<512x1024xf32>
    %eq3A_64 = arith.cmpf oeq, %sub3A_58, %eq3A_63 : vector<512x1024xf32>
    %jit3A_65 = arith.constant 512 : i32
    %broadcast_in_dim3A_66 = vector.broadcast %jit3A_65 : i32 to vector<512x1024xi32>
    %select_n3A_67 = arith.select %eq3A_64, %iota3A_61, %broadcast_in_dim3A_66 : vector<512x1024xi1>, vector<512x1024xi32>
    %reduce_min3A_68 = arith.constant dense<2147483647> : vector<1024xi32>
    %reduce_min3A_69 = vector.multi_reduction <minsi>, %select_n3A_67, %reduce_min3A_68 [0] : vector<512x1024xi32> to vector<1024xi32>
    %mul3A_70 = arith.constant 512 : i32
    %mul3A_71 = arith.muli %arg1, %mul3A_70 : i32
    %add3A_72 = vector.broadcast %mul3A_71 : i32 to vector<1024xi32>
    %add3A_73 = arith.addi %reduce_min3A_69, %add3A_72 : vector<1024xi32>
    %eq3A_74 = arith.constant 0 : i32
    %eq3A_75 = arith.cmpi eq, %arg1, %eq3A_74 : i32
    %convert_element_type3A_76 = arith.extui %eq3A_75 : i1 to i32
    %cond3A_77 = arith.constant 0 : i32
    %cond3A_78 = arith.cmpi ne, %convert_element_type3A_76, %cond3A_77 : i32
    scf.if %cond3A_78 {
      %swap3A = arith.constant 1 : index
      %swap3A_383 = arith.constant 0 : index
      %swap3A_384 = vector.load %arg6[%swap3A, %swap3A_383] : memref<8x1024xf32, #tpu.memory_space<vmem>>, vector<1x1024xf32>
      %swap3A_385 = vector.shape_cast %swap3A_384 : vector<1x1024xf32> to vector<1024xf32>
      %swap3A_386 = vector.shape_cast %reduce_min3A_60 : vector<1024xf32> to vector<1x1024xf32>
      tpu.vector_store %arg6[%swap3A, %swap3A_383], %swap3A_386 {strides = array<i32>} : memref<8x1024xf32, #tpu.memory_space<vmem>>, vector<1x1024xf32>,
      %swap3A_387 = arith.constant 1 : index
      %swap3A_388 = arith.constant 0 : index
      %swap3A_389 = vector.load %arg7[%swap3A_387, %swap3A_388] : memref<8x1024xi32, #tpu.memory_space<vmem>>, vector<1x1024xi32>
      %swap3A_390 = vector.shape_cast %swap3A_389 : vector<1x1024xi32> to vector<1024xi32>
      %swap3A_391 = vector.shape_cast %add3A_73 : vector<1024xi32> to vector<1x1024xi32>
      tpu.vector_store %arg7[%swap3A_387, %swap3A_388], %swap3A_391 {strides = array<i32>} : memref<8x1024xi32, #tpu.memory_space<vmem>>, vector<1x1024xi32>,
    } else {
    }
    %gt3A_79 = arith.constant 0 : i32
    %gt3A_80 = arith.cmpi sgt, %arg1, %gt3A_79 : i32
    %convert_element_type3A_81 = arith.extui %gt3A_80 : i1 to i32
    %cond3A_82 = arith.constant 0 : i32
    %cond3A_83 = arith.cmpi ne, %convert_element_type3A_81, %cond3A_82 : i32
    scf.if %cond3A_83 {
      %get3A_383 = arith.constant 1 : index
      %get3A_384 = arith.constant 0 : index
      %get3A_385 = vector.load %arg6[%get3A_383, %get3A_384] : memref<8x1024xf32, #tpu.memory_space<vmem>>, vector<1x1024xf32>
      %get3A_386 = vector.shape_cast %get3A_385 : vector<1x1024xf32> to vector<1024xf32>
      %lt3A = arith.cmpf olt, %reduce_min3A_60, %get3A_386 : vector<1024xf32>
      %select_n3A_387 = arith.select %lt3A, %reduce_min3A_60, %get3A_386 : vector<1024xi1>, vector<1024xf32>
      %swap3A = arith.constant 1 : index
      %swap3A_388 = arith.constant 0 : index
      %swap3A_389 = vector.load %arg6[%swap3A, %swap3A_388] : memref<8x1024xf32, #tpu.memory_space<vmem>>, vector<1x1024xf32>
      %swap3A_390 = vector.shape_cast %swap3A_389 : vector<1x1024xf32> to vector<1024xf32>
      %swap3A_391 = vector.shape_cast %select_n3A_387 : vector<1024xf32> to vector<1x1024xf32>
      tpu.vector_store %arg6[%swap3A, %swap3A_388], %swap3A_391 {strides = array<i32>} : memref<8x1024xf32, #tpu.memory_space<vmem>>, vector<1x1024xf32>,
      %get3A_392 = arith.constant 1 : index
      %get3A_393 = arith.constant 0 : index
      %get3A_394 = vector.load %arg7[%get3A_392, %get3A_393] : memref<8x1024xi32, #tpu.memory_space<vmem>>, vector<1x1024xi32>
      %get3A_395 = vector.shape_cast %get3A_394 : vector<1x1024xi32> to vector<1024xi32>
      %select_n3A_396 = arith.select %lt3A, %add3A_73, %get3A_395 : vector<1024xi1>, vector<1024xi32>
      %swap3A_397 = arith.constant 1 : index
      %swap3A_398 = arith.constant 0 : index
      %swap3A_399 = vector.load %arg7[%swap3A_397, %swap3A_398] : memref<8x1024xi32, #tpu.memory_space<vmem>>, vector<1x1024xi32>
      %swap3A_400 = vector.shape_cast %swap3A_399 : vector<1x1024xi32> to vector<1024xi32>
      %swap3A_401 = vector.shape_cast %select_n3A_396 : vector<1024xi32> to vector<1x1024xi32>
      tpu.vector_store %arg7[%swap3A_397, %swap3A_398], %swap3A_401 {strides = array<i32>} : memref<8x1024xi32, #tpu.memory_space<vmem>>, vector<1x1024xi32>,
    } else {
    }
    %eq3A_84 = arith.constant 15 : i32
    %eq3A_85 = arith.cmpi eq, %arg1, %eq3A_84 : i32
    %convert_element_type3A_86 = arith.extui %eq3A_85 : i1 to i32
    %cond3A_87 = arith.constant 0 : i32
    %cond3A_88 = arith.cmpi ne, %convert_element_type3A_86, %cond3A_87 : i32
    scf.if %cond3A_88 {
      %get3A_383 = arith.constant 1 : index
      %get3A_384 = arith.constant 0 : index
      %get3A_385 = vector.load %arg7[%get3A_383, %get3A_384] : memref<8x1024xi32, #tpu.memory_space<vmem>>, vector<1x1024xi32>
      %get3A_386 = vector.shape_cast %get3A_385 : vector<1x1024xi32> to vector<1024xi32>
      %swap3A = arith.constant 1 : index
      %swap3A_387 = arith.constant 0 : index
      %swap3A_388 = arith.constant 0 : index
      %swap3A_389 = vector.load %arg4[%swap3A, %swap3A_387, %swap3A_388] : memref<8x1x1024xi32, #tpu.memory_space<vmem>>, vector<1x1x1024xi32>
      %swap3A_390 = vector.shape_cast %swap3A_389 : vector<1x1x1024xi32> to vector<1024xi32>
      %swap3A_391 = vector.shape_cast %get3A_386 : vector<1024xi32> to vector<1x1x1024xi32>
      tpu.vector_store %arg4[%swap3A, %swap3A_387, %swap3A_388], %swap3A_391 {strides = array<i32>} : memref<8x1x1024xi32, #tpu.memory_space<vmem>>, vector<1x1x1024xi32>,
      %get3A_392 = arith.constant 1 : index
      %get3A_393 = arith.constant 0 : index
      %get3A_394 = vector.load %arg6[%get3A_392, %get3A_393] : memref<8x1024xf32, #tpu.memory_space<vmem>>, vector<1x1024xf32>
      %get3A_395 = vector.shape_cast %get3A_394 : vector<1x1024xf32> to vector<1024xf32>
      %swap3A_396 = arith.constant 1 : index
      %swap3A_397 = arith.constant 0 : index
      %swap3A_398 = arith.constant 0 : index
      %swap3A_399 = vector.load %arg5[%swap3A_396, %swap3A_397, %swap3A_398] : memref<8x1x1024xf32, #tpu.memory_space<vmem>>, vector<1x1x1024xf32>
      %swap3A_400 = vector.shape_cast %swap3A_399 : vector<1x1x1024xf32> to vector<1024xf32>
      %swap3A_401 = vector.shape_cast %get3A_395 : vector<1024xf32> to vector<1x1x1024xf32>
      tpu.vector_store %arg5[%swap3A_396, %swap3A_397, %swap3A_398], %swap3A_401 {strides = array<i32>} : memref<8x1x1024xf32, #tpu.memory_space<vmem>>, vector<1x1x1024xf32>,
    } else {
    }
    %get3A_89 = arith.constant 2 : index
    %get3A_90 = arith.constant 0 : index
    %get3A_91 = arith.constant 0 : index
    %get3A_92 = vector.load %arg2[%get3A_89, %get3A_90, %get3A_91] : memref<8x256x1024xf32, #tpu.memory_space<vmem>>, vector<1x256x1024xf32>
    %get3A_93 = vector.shape_cast %get3A_92 : vector<1x256x1024xf32> to vector<256x1024xf32>
    %mul3A_94 = arith.mulf %get3A_93, %get3A_93 : vector<256x1024xf32>
    %reduce_sum3A_95 = arith.constant dense<0.000000e+00> : vector<1024xf32>
    %reduce_sum3A_96 = vector.multi_reduction <add>, %mul3A_94, %reduce_sum3A_95 [0] : vector<256x1024xf32> to vector<1024xf32>
    %dot_general3A_97 = arith.constant dense<0.000000e+00> : vector<512x1024xf32>
    %dot_general3A_98 = tpu.matmul %get3A_1, %get3A_93, %dot_general3A_97 {dimension_numbers = #tpu.dot_dimension_numbers<[1], [0], [0], [1], [0, 0, 1, 1], [], []>, transpose_lhs_hint = false} : vector<512x256xf32>, vector<256x1024xf32>, vector<512x1024xf32> -> vector<512x1024xf32>
    %broadcast_in_dim3A_99 = vector.shape_cast %reduce_sum3A_96 : vector<1024xf32> to vector<1x1024xf32>
    %broadcast_in_dim3A_100 = vector.shape_cast %reduce_sum3A_2 : vector<512xf32> to vector<512x1xf32>
    %add3A_101 = vector.broadcast %broadcast_in_dim3A_99 : vector<1x1024xf32> to vector<512x1024xf32>
    %add3A_102 = vector.broadcast %broadcast_in_dim3A_100 : vector<512x1xf32> to vector<512x1024xf32>
    %add3A_103 = arith.addf %add3A_101, %add3A_102 : vector<512x1024xf32>
    %mul3A_104 = arith.constant 2.000000e+00 : f32
    %mul3A_105 = vector.broadcast %mul3A_104 : f32 to vector<512x1024xf32>
    %mul3A_106 = arith.mulf %mul3A_105, %dot_general3A_98 : vector<512x1024xf32>
    %sub3A_107 = arith.subf %add3A_103, %mul3A_106 : vector<512x1024xf32>
    %reduce_min3A_108 = arith.constant dense<0x7F800000> : vector<1024xf32>
    %reduce_min3A_109 = vector.multi_reduction <minimumf>, %sub3A_107, %reduce_min3A_108 [0] : vector<512x1024xf32> to vector<1024xf32>
    %iota3A_110 = tpu.iota {dimensions = array<i32: 0>} : vector<512x1024xi32>
    %broadcast_in_dim3A_111 = vector.shape_cast %reduce_min3A_109 : vector<1024xf32> to vector<1x1024xf32>
    %eq3A_112 = vector.broadcast %broadcast_in_dim3A_111 : vector<1x1024xf32> to vector<512x1024xf32>
    %eq3A_113 = arith.cmpf oeq, %sub3A_107, %eq3A_112 : vector<512x1024xf32>
    %jit3A_114 = arith.constant 512 : i32
    %broadcast_in_dim3A_115 = vector.broadcast %jit3A_114 : i32 to vector<512x1024xi32>
    %select_n3A_116 = arith.select %eq3A_113, %iota3A_110, %broadcast_in_dim3A_115 : vector<512x1024xi1>, vector<512x1024xi32>
    %reduce_min3A_117 = arith.constant dense<2147483647> : vector<1024xi32>
    %reduce_min3A_118 = vector.multi_reduction <minsi>, %select_n3A_116, %reduce_min3A_117 [0] : vector<512x1024xi32> to vector<1024xi32>
    %mul3A_119 = arith.constant 512 : i32
    %mul3A_120 = arith.muli %arg1, %mul3A_119 : i32
    %add3A_121 = vector.broadcast %mul3A_120 : i32 to vector<1024xi32>
    %add3A_122 = arith.addi %reduce_min3A_118, %add3A_121 : vector<1024xi32>
    %eq3A_123 = arith.constant 0 : i32
    %eq3A_124 = arith.cmpi eq, %arg1, %eq3A_123 : i32
    %convert_element_type3A_125 = arith.extui %eq3A_124 : i1 to i32
    %cond3A_126 = arith.constant 0 : i32
    %cond3A_127 = arith.cmpi ne, %convert_element_type3A_125, %cond3A_126 : i32
    scf.if %cond3A_127 {
      %swap3A = arith.constant 2 : index
      %swap3A_383 = arith.constant 0 : index
      %swap3A_384 = vector.load %arg6[%swap3A, %swap3A_383] : memref<8x1024xf32, #tpu.memory_space<vmem>>, vector<1x1024xf32>
      %swap3A_385 = vector.shape_cast %swap3A_384 : vector<1x1024xf32> to vector<1024xf32>
      %swap3A_386 = vector.shape_cast %reduce_min3A_109 : vector<1024xf32> to vector<1x1024xf32>
      tpu.vector_store %arg6[%swap3A, %swap3A_383], %swap3A_386 {strides = array<i32>} : memref<8x1024xf32, #tpu.memory_space<vmem>>, vector<1x1024xf32>,
      %swap3A_387 = arith.constant 2 : index
      %swap3A_388 = arith.constant 0 : index
      %swap3A_389 = vector.load %arg7[%swap3A_387, %swap3A_388] : memref<8x1024xi32, #tpu.memory_space<vmem>>, vector<1x1024xi32>
      %swap3A_390 = vector.shape_cast %swap3A_389 : vector<1x1024xi32> to vector<1024xi32>
      %swap3A_391 = vector.shape_cast %add3A_122 : vector<1024xi32> to vector<1x1024xi32>
      tpu.vector_store %arg7[%swap3A_387, %swap3A_388], %swap3A_391 {strides = array<i32>} : memref<8x1024xi32, #tpu.memory_space<vmem>>, vector<1x1024xi32>,
    } else {
    }
    %gt3A_128 = arith.constant 0 : i32
    %gt3A_129 = arith.cmpi sgt, %arg1, %gt3A_128 : i32
    %convert_element_type3A_130 = arith.extui %gt3A_129 : i1 to i32
    %cond3A_131 = arith.constant 0 : i32
    %cond3A_132 = arith.cmpi ne, %convert_element_type3A_130, %cond3A_131 : i32
    scf.if %cond3A_132 {
      %get3A_383 = arith.constant 2 : index
      %get3A_384 = arith.constant 0 : index
      %get3A_385 = vector.load %arg6[%get3A_383, %get3A_384] : memref<8x1024xf32, #tpu.memory_space<vmem>>, vector<1x1024xf32>
      %get3A_386 = vector.shape_cast %get3A_385 : vector<1x1024xf32> to vector<1024xf32>
      %lt3A = arith.cmpf olt, %reduce_min3A_109, %get3A_386 : vector<1024xf32>
      %select_n3A_387 = arith.select %lt3A, %reduce_min3A_109, %get3A_386 : vector<1024xi1>, vector<1024xf32>
      %swap3A = arith.constant 2 : index
      %swap3A_388 = arith.constant 0 : index
      %swap3A_389 = vector.load %arg6[%swap3A, %swap3A_388] : memref<8x1024xf32, #tpu.memory_space<vmem>>, vector<1x1024xf32>
      %swap3A_390 = vector.shape_cast %swap3A_389 : vector<1x1024xf32> to vector<1024xf32>
      %swap3A_391 = vector.shape_cast %select_n3A_387 : vector<1024xf32> to vector<1x1024xf32>
      tpu.vector_store %arg6[%swap3A, %swap3A_388], %swap3A_391 {strides = array<i32>} : memref<8x1024xf32, #tpu.memory_space<vmem>>, vector<1x1024xf32>,
      %get3A_392 = arith.constant 2 : index
      %get3A_393 = arith.constant 0 : index
      %get3A_394 = vector.load %arg7[%get3A_392, %get3A_393] : memref<8x1024xi32, #tpu.memory_space<vmem>>, vector<1x1024xi32>
      %get3A_395 = vector.shape_cast %get3A_394 : vector<1x1024xi32> to vector<1024xi32>
      %select_n3A_396 = arith.select %lt3A, %add3A_122, %get3A_395 : vector<1024xi1>, vector<1024xi32>
      %swap3A_397 = arith.constant 2 : index
      %swap3A_398 = arith.constant 0 : index
      %swap3A_399 = vector.load %arg7[%swap3A_397, %swap3A_398] : memref<8x1024xi32, #tpu.memory_space<vmem>>, vector<1x1024xi32>
      %swap3A_400 = vector.shape_cast %swap3A_399 : vector<1x1024xi32> to vector<1024xi32>
      %swap3A_401 = vector.shape_cast %select_n3A_396 : vector<1024xi32> to vector<1x1024xi32>
      tpu.vector_store %arg7[%swap3A_397, %swap3A_398], %swap3A_401 {strides = array<i32>} : memref<8x1024xi32, #tpu.memory_space<vmem>>, vector<1x1024xi32>,
    } else {
    }
    %eq3A_133 = arith.constant 15 : i32
    %eq3A_134 = arith.cmpi eq, %arg1, %eq3A_133 : i32
    %convert_element_type3A_135 = arith.extui %eq3A_134 : i1 to i32
    %cond3A_136 = arith.constant 0 : i32
    %cond3A_137 = arith.cmpi ne, %convert_element_type3A_135, %cond3A_136 : i32
    scf.if %cond3A_137 {
      %get3A_383 = arith.constant 2 : index
      %get3A_384 = arith.constant 0 : index
      %get3A_385 = vector.load %arg7[%get3A_383, %get3A_384] : memref<8x1024xi32, #tpu.memory_space<vmem>>, vector<1x1024xi32>
      %get3A_386 = vector.shape_cast %get3A_385 : vector<1x1024xi32> to vector<1024xi32>
      %swap3A = arith.constant 2 : index
      %swap3A_387 = arith.constant 0 : index
      %swap3A_388 = arith.constant 0 : index
      %swap3A_389 = vector.load %arg4[%swap3A, %swap3A_387, %swap3A_388] : memref<8x1x1024xi32, #tpu.memory_space<vmem>>, vector<1x1x1024xi32>
      %swap3A_390 = vector.shape_cast %swap3A_389 : vector<1x1x1024xi32> to vector<1024xi32>
      %swap3A_391 = vector.shape_cast %get3A_386 : vector<1024xi32> to vector<1x1x1024xi32>
      tpu.vector_store %arg4[%swap3A, %swap3A_387, %swap3A_388], %swap3A_391 {strides = array<i32>} : memref<8x1x1024xi32, #tpu.memory_space<vmem>>, vector<1x1x1024xi32>,
      %get3A_392 = arith.constant 2 : index
      %get3A_393 = arith.constant 0 : index
      %get3A_394 = vector.load %arg6[%get3A_392, %get3A_393] : memref<8x1024xf32, #tpu.memory_space<vmem>>, vector<1x1024xf32>
      %get3A_395 = vector.shape_cast %get3A_394 : vector<1x1024xf32> to vector<1024xf32>
      %swap3A_396 = arith.constant 2 : index
      %swap3A_397 = arith.constant 0 : index
      %swap3A_398 = arith.constant 0 : index
      %swap3A_399 = vector.load %arg5[%swap3A_396, %swap3A_397, %swap3A_398] : memref<8x1x1024xf32, #tpu.memory_space<vmem>>, vector<1x1x1024xf32>
      %swap3A_400 = vector.shape_cast %swap3A_399 : vector<1x1x1024xf32> to vector<1024xf32>
      %swap3A_401 = vector.shape_cast %get3A_395 : vector<1024xf32> to vector<1x1x1024xf32>
      tpu.vector_store %arg5[%swap3A_396, %swap3A_397, %swap3A_398], %swap3A_401 {strides = array<i32>} : memref<8x1x1024xf32, #tpu.memory_space<vmem>>, vector<1x1x1024xf32>,
    } else {
    }
    %get3A_138 = arith.constant 3 : index
    %get3A_139 = arith.constant 0 : index
    %get3A_140 = arith.constant 0 : index
    %get3A_141 = vector.load %arg2[%get3A_138, %get3A_139, %get3A_140] : memref<8x256x1024xf32, #tpu.memory_space<vmem>>, vector<1x256x1024xf32>
    %get3A_142 = vector.shape_cast %get3A_141 : vector<1x256x1024xf32> to vector<256x1024xf32>
    %mul3A_143 = arith.mulf %get3A_142, %get3A_142 : vector<256x1024xf32>
    %reduce_sum3A_144 = arith.constant dense<0.000000e+00> : vector<1024xf32>
    %reduce_sum3A_145 = vector.multi_reduction <add>, %mul3A_143, %reduce_sum3A_144 [0] : vector<256x1024xf32> to vector<1024xf32>
    %dot_general3A_146 = arith.constant dense<0.000000e+00> : vector<512x1024xf32>
    %dot_general3A_147 = tpu.matmul %get3A_1, %get3A_142, %dot_general3A_146 {dimension_numbers = #tpu.dot_dimension_numbers<[1], [0], [0], [1], [0, 0, 1, 1], [], []>, transpose_lhs_hint = false} : vector<512x256xf32>, vector<256x1024xf32>, vector<512x1024xf32> -> vector<512x1024xf32>
    %broadcast_in_dim3A_148 = vector.shape_cast %reduce_sum3A_145 : vector<1024xf32> to vector<1x1024xf32>
    %broadcast_in_dim3A_149 = vector.shape_cast %reduce_sum3A_2 : vector<512xf32> to vector<512x1xf32>
    %add3A_150 = vector.broadcast %broadcast_in_dim3A_148 : vector<1x1024xf32> to vector<512x1024xf32>
    %add3A_151 = vector.broadcast %broadcast_in_dim3A_149 : vector<512x1xf32> to vector<512x1024xf32>
    %add3A_152 = arith.addf %add3A_150, %add3A_151 : vector<512x1024xf32>
    %mul3A_153 = arith.constant 2.000000e+00 : f32
    %mul3A_154 = vector.broadcast %mul3A_153 : f32 to vector<512x1024xf32>
    %mul3A_155 = arith.mulf %mul3A_154, %dot_general3A_147 : vector<512x1024xf32>
    %sub3A_156 = arith.subf %add3A_152, %mul3A_155 : vector<512x1024xf32>
    %reduce_min3A_157 = arith.constant dense<0x7F800000> : vector<1024xf32>
    %reduce_min3A_158 = vector.multi_reduction <minimumf>, %sub3A_156, %reduce_min3A_157 [0] : vector<512x1024xf32> to vector<1024xf32>
    %iota3A_159 = tpu.iota {dimensions = array<i32: 0>} : vector<512x1024xi32>
    %broadcast_in_dim3A_160 = vector.shape_cast %reduce_min3A_158 : vector<1024xf32> to vector<1x1024xf32>
    %eq3A_161 = vector.broadcast %broadcast_in_dim3A_160 : vector<1x1024xf32> to vector<512x1024xf32>
    %eq3A_162 = arith.cmpf oeq, %sub3A_156, %eq3A_161 : vector<512x1024xf32>
    %jit3A_163 = arith.constant 512 : i32
    %broadcast_in_dim3A_164 = vector.broadcast %jit3A_163 : i32 to vector<512x1024xi32>
    %select_n3A_165 = arith.select %eq3A_162, %iota3A_159, %broadcast_in_dim3A_164 : vector<512x1024xi1>, vector<512x1024xi32>
    %reduce_min3A_166 = arith.constant dense<2147483647> : vector<1024xi32>
    %reduce_min3A_167 = vector.multi_reduction <minsi>, %select_n3A_165, %reduce_min3A_166 [0] : vector<512x1024xi32> to vector<1024xi32>
    %mul3A_168 = arith.constant 512 : i32
    %mul3A_169 = arith.muli %arg1, %mul3A_168 : i32
    %add3A_170 = vector.broadcast %mul3A_169 : i32 to vector<1024xi32>
    %add3A_171 = arith.addi %reduce_min3A_167, %add3A_170 : vector<1024xi32>
    %eq3A_172 = arith.constant 0 : i32
    %eq3A_173 = arith.cmpi eq, %arg1, %eq3A_172 : i32
    %convert_element_type3A_174 = arith.extui %eq3A_173 : i1 to i32
    %cond3A_175 = arith.constant 0 : i32
    %cond3A_176 = arith.cmpi ne, %convert_element_type3A_174, %cond3A_175 : i32
    scf.if %cond3A_176 {
      %swap3A = arith.constant 3 : index
      %swap3A_383 = arith.constant 0 : index
      %swap3A_384 = vector.load %arg6[%swap3A, %swap3A_383] : memref<8x1024xf32, #tpu.memory_space<vmem>>, vector<1x1024xf32>
      %swap3A_385 = vector.shape_cast %swap3A_384 : vector<1x1024xf32> to vector<1024xf32>
      %swap3A_386 = vector.shape_cast %reduce_min3A_158 : vector<1024xf32> to vector<1x1024xf32>
      tpu.vector_store %arg6[%swap3A, %swap3A_383], %swap3A_386 {strides = array<i32>} : memref<8x1024xf32, #tpu.memory_space<vmem>>, vector<1x1024xf32>,
      %swap3A_387 = arith.constant 3 : index
      %swap3A_388 = arith.constant 0 : index
      %swap3A_389 = vector.load %arg7[%swap3A_387, %swap3A_388] : memref<8x1024xi32, #tpu.memory_space<vmem>>, vector<1x1024xi32>
      %swap3A_390 = vector.shape_cast %swap3A_389 : vector<1x1024xi32> to vector<1024xi32>
      %swap3A_391 = vector.shape_cast %add3A_171 : vector<1024xi32> to vector<1x1024xi32>
      tpu.vector_store %arg7[%swap3A_387, %swap3A_388], %swap3A_391 {strides = array<i32>} : memref<8x1024xi32, #tpu.memory_space<vmem>>, vector<1x1024xi32>,
    } else {
    }
    %gt3A_177 = arith.constant 0 : i32
    %gt3A_178 = arith.cmpi sgt, %arg1, %gt3A_177 : i32
    %convert_element_type3A_179 = arith.extui %gt3A_178 : i1 to i32
    %cond3A_180 = arith.constant 0 : i32
    %cond3A_181 = arith.cmpi ne, %convert_element_type3A_179, %cond3A_180 : i32
    scf.if %cond3A_181 {
      %get3A_383 = arith.constant 3 : index
      %get3A_384 = arith.constant 0 : index
      %get3A_385 = vector.load %arg6[%get3A_383, %get3A_384] : memref<8x1024xf32, #tpu.memory_space<vmem>>, vector<1x1024xf32>
      %get3A_386 = vector.shape_cast %get3A_385 : vector<1x1024xf32> to vector<1024xf32>
      %lt3A = arith.cmpf olt, %reduce_min3A_158, %get3A_386 : vector<1024xf32>
      %select_n3A_387 = arith.select %lt3A, %reduce_min3A_158, %get3A_386 : vector<1024xi1>, vector<1024xf32>
      %swap3A = arith.constant 3 : index
      %swap3A_388 = arith.constant 0 : index
      %swap3A_389 = vector.load %arg6[%swap3A, %swap3A_388] : memref<8x1024xf32, #tpu.memory_space<vmem>>, vector<1x1024xf32>
      %swap3A_390 = vector.shape_cast %swap3A_389 : vector<1x1024xf32> to vector<1024xf32>
      %swap3A_391 = vector.shape_cast %select_n3A_387 : vector<1024xf32> to vector<1x1024xf32>
      tpu.vector_store %arg6[%swap3A, %swap3A_388], %swap3A_391 {strides = array<i32>} : memref<8x1024xf32, #tpu.memory_space<vmem>>, vector<1x1024xf32>,
      %get3A_392 = arith.constant 3 : index
      %get3A_393 = arith.constant 0 : index
      %get3A_394 = vector.load %arg7[%get3A_392, %get3A_393] : memref<8x1024xi32, #tpu.memory_space<vmem>>, vector<1x1024xi32>
      %get3A_395 = vector.shape_cast %get3A_394 : vector<1x1024xi32> to vector<1024xi32>
      %select_n3A_396 = arith.select %lt3A, %add3A_171, %get3A_395 : vector<1024xi1>, vector<1024xi32>
      %swap3A_397 = arith.constant 3 : index
      %swap3A_398 = arith.constant 0 : index
      %swap3A_399 = vector.load %arg7[%swap3A_397, %swap3A_398] : memref<8x1024xi32, #tpu.memory_space<vmem>>, vector<1x1024xi32>
      %swap3A_400 = vector.shape_cast %swap3A_399 : vector<1x1024xi32> to vector<1024xi32>
      %swap3A_401 = vector.shape_cast %select_n3A_396 : vector<1024xi32> to vector<1x1024xi32>
      tpu.vector_store %arg7[%swap3A_397, %swap3A_398], %swap3A_401 {strides = array<i32>} : memref<8x1024xi32, #tpu.memory_space<vmem>>, vector<1x1024xi32>,
    } else {
    }
    %eq3A_182 = arith.constant 15 : i32
    %eq3A_183 = arith.cmpi eq, %arg1, %eq3A_182 : i32
    %convert_element_type3A_184 = arith.extui %eq3A_183 : i1 to i32
    %cond3A_185 = arith.constant 0 : i32
    %cond3A_186 = arith.cmpi ne, %convert_element_type3A_184, %cond3A_185 : i32
    scf.if %cond3A_186 {
      %get3A_383 = arith.constant 3 : index
      %get3A_384 = arith.constant 0 : index
      %get3A_385 = vector.load %arg7[%get3A_383, %get3A_384] : memref<8x1024xi32, #tpu.memory_space<vmem>>, vector<1x1024xi32>
      %get3A_386 = vector.shape_cast %get3A_385 : vector<1x1024xi32> to vector<1024xi32>
      %swap3A = arith.constant 3 : index
      %swap3A_387 = arith.constant 0 : index
      %swap3A_388 = arith.constant 0 : index
      %swap3A_389 = vector.load %arg4[%swap3A, %swap3A_387, %swap3A_388] : memref<8x1x1024xi32, #tpu.memory_space<vmem>>, vector<1x1x1024xi32>
      %swap3A_390 = vector.shape_cast %swap3A_389 : vector<1x1x1024xi32> to vector<1024xi32>
      %swap3A_391 = vector.shape_cast %get3A_386 : vector<1024xi32> to vector<1x1x1024xi32>
      tpu.vector_store %arg4[%swap3A, %swap3A_387, %swap3A_388], %swap3A_391 {strides = array<i32>} : memref<8x1x1024xi32, #tpu.memory_space<vmem>>, vector<1x1x1024xi32>,
      %get3A_392 = arith.constant 3 : index
      %get3A_393 = arith.constant 0 : index
      %get3A_394 = vector.load %arg6[%get3A_392, %get3A_393] : memref<8x1024xf32, #tpu.memory_space<vmem>>, vector<1x1024xf32>
      %get3A_395 = vector.shape_cast %get3A_394 : vector<1x1024xf32> to vector<1024xf32>
      %swap3A_396 = arith.constant 3 : index
      %swap3A_397 = arith.constant 0 : index
      %swap3A_398 = arith.constant 0 : index
      %swap3A_399 = vector.load %arg5[%swap3A_396, %swap3A_397, %swap3A_398] : memref<8x1x1024xf32, #tpu.memory_space<vmem>>, vector<1x1x1024xf32>
      %swap3A_400 = vector.shape_cast %swap3A_399 : vector<1x1x1024xf32> to vector<1024xf32>
      %swap3A_401 = vector.shape_cast %get3A_395 : vector<1024xf32> to vector<1x1x1024xf32>
      tpu.vector_store %arg5[%swap3A_396, %swap3A_397, %swap3A_398], %swap3A_401 {strides = array<i32>} : memref<8x1x1024xf32, #tpu.memory_space<vmem>>, vector<1x1x1024xf32>,
    } else {
    }
    %get3A_187 = arith.constant 4 : index
    %get3A_188 = arith.constant 0 : index
    %get3A_189 = arith.constant 0 : index
    %get3A_190 = vector.load %arg2[%get3A_187, %get3A_188, %get3A_189] : memref<8x256x1024xf32, #tpu.memory_space<vmem>>, vector<1x256x1024xf32>
    %get3A_191 = vector.shape_cast %get3A_190 : vector<1x256x1024xf32> to vector<256x1024xf32>
    %mul3A_192 = arith.mulf %get3A_191, %get3A_191 : vector<256x1024xf32>
    %reduce_sum3A_193 = arith.constant dense<0.000000e+00> : vector<1024xf32>
    %reduce_sum3A_194 = vector.multi_reduction <add>, %mul3A_192, %reduce_sum3A_193 [0] : vector<256x1024xf32> to vector<1024xf32>
    %dot_general3A_195 = arith.constant dense<0.000000e+00> : vector<512x1024xf32>
    %dot_general3A_196 = tpu.matmul %get3A_1, %get3A_191, %dot_general3A_195 {dimension_numbers = #tpu.dot_dimension_numbers<[1], [0], [0], [1], [0, 0, 1, 1], [], []>, transpose_lhs_hint = false} : vector<512x256xf32>, vector<256x1024xf32>, vector<512x1024xf32> -> vector<512x1024xf32>
    %broadcast_in_dim3A_197 = vector.shape_cast %reduce_sum3A_194 : vector<1024xf32> to vector<1x1024xf32>
    %broadcast_in_dim3A_198 = vector.shape_cast %reduce_sum3A_2 : vector<512xf32> to vector<512x1xf32>
    %add3A_199 = vector.broadcast %broadcast_in_dim3A_197 : vector<1x1024xf32> to vector<512x1024xf32>
    %add3A_200 = vector.broadcast %broadcast_in_dim3A_198 : vector<512x1xf32> to vector<512x1024xf32>
    %add3A_201 = arith.addf %add3A_199, %add3A_200 : vector<512x1024xf32>
    %mul3A_202 = arith.constant 2.000000e+00 : f32
    %mul3A_203 = vector.broadcast %mul3A_202 : f32 to vector<512x1024xf32>
    %mul3A_204 = arith.mulf %mul3A_203, %dot_general3A_196 : vector<512x1024xf32>
    %sub3A_205 = arith.subf %add3A_201, %mul3A_204 : vector<512x1024xf32>
    %reduce_min3A_206 = arith.constant dense<0x7F800000> : vector<1024xf32>
    %reduce_min3A_207 = vector.multi_reduction <minimumf>, %sub3A_205, %reduce_min3A_206 [0] : vector<512x1024xf32> to vector<1024xf32>
    %iota3A_208 = tpu.iota {dimensions = array<i32: 0>} : vector<512x1024xi32>
    %broadcast_in_dim3A_209 = vector.shape_cast %reduce_min3A_207 : vector<1024xf32> to vector<1x1024xf32>
    %eq3A_210 = vector.broadcast %broadcast_in_dim3A_209 : vector<1x1024xf32> to vector<512x1024xf32>
    %eq3A_211 = arith.cmpf oeq, %sub3A_205, %eq3A_210 : vector<512x1024xf32>
    %jit3A_212 = arith.constant 512 : i32
    %broadcast_in_dim3A_213 = vector.broadcast %jit3A_212 : i32 to vector<512x1024xi32>
    %select_n3A_214 = arith.select %eq3A_211, %iota3A_208, %broadcast_in_dim3A_213 : vector<512x1024xi1>, vector<512x1024xi32>
    %reduce_min3A_215 = arith.constant dense<2147483647> : vector<1024xi32>
    %reduce_min3A_216 = vector.multi_reduction <minsi>, %select_n3A_214, %reduce_min3A_215 [0] : vector<512x1024xi32> to vector<1024xi32>
    %mul3A_217 = arith.constant 512 : i32
    %mul3A_218 = arith.muli %arg1, %mul3A_217 : i32
    %add3A_219 = vector.broadcast %mul3A_218 : i32 to vector<1024xi32>
    %add3A_220 = arith.addi %reduce_min3A_216, %add3A_219 : vector<1024xi32>
    %eq3A_221 = arith.constant 0 : i32
    %eq3A_222 = arith.cmpi eq, %arg1, %eq3A_221 : i32
    %convert_element_type3A_223 = arith.extui %eq3A_222 : i1 to i32
    %cond3A_224 = arith.constant 0 : i32
    %cond3A_225 = arith.cmpi ne, %convert_element_type3A_223, %cond3A_224 : i32
    scf.if %cond3A_225 {
      %swap3A = arith.constant 4 : index
      %swap3A_383 = arith.constant 0 : index
      %swap3A_384 = vector.load %arg6[%swap3A, %swap3A_383] : memref<8x1024xf32, #tpu.memory_space<vmem>>, vector<1x1024xf32>
      %swap3A_385 = vector.shape_cast %swap3A_384 : vector<1x1024xf32> to vector<1024xf32>
      %swap3A_386 = vector.shape_cast %reduce_min3A_207 : vector<1024xf32> to vector<1x1024xf32>
      tpu.vector_store %arg6[%swap3A, %swap3A_383], %swap3A_386 {strides = array<i32>} : memref<8x1024xf32, #tpu.memory_space<vmem>>, vector<1x1024xf32>,
      %swap3A_387 = arith.constant 4 : index
      %swap3A_388 = arith.constant 0 : index
      %swap3A_389 = vector.load %arg7[%swap3A_387, %swap3A_388] : memref<8x1024xi32, #tpu.memory_space<vmem>>, vector<1x1024xi32>
      %swap3A_390 = vector.shape_cast %swap3A_389 : vector<1x1024xi32> to vector<1024xi32>
      %swap3A_391 = vector.shape_cast %add3A_220 : vector<1024xi32> to vector<1x1024xi32>
      tpu.vector_store %arg7[%swap3A_387, %swap3A_388], %swap3A_391 {strides = array<i32>} : memref<8x1024xi32, #tpu.memory_space<vmem>>, vector<1x1024xi32>,
    } else {
    }
    %gt3A_226 = arith.constant 0 : i32
    %gt3A_227 = arith.cmpi sgt, %arg1, %gt3A_226 : i32
    %convert_element_type3A_228 = arith.extui %gt3A_227 : i1 to i32
    %cond3A_229 = arith.constant 0 : i32
    %cond3A_230 = arith.cmpi ne, %convert_element_type3A_228, %cond3A_229 : i32
    scf.if %cond3A_230 {
      %get3A_383 = arith.constant 4 : index
      %get3A_384 = arith.constant 0 : index
      %get3A_385 = vector.load %arg6[%get3A_383, %get3A_384] : memref<8x1024xf32, #tpu.memory_space<vmem>>, vector<1x1024xf32>
      %get3A_386 = vector.shape_cast %get3A_385 : vector<1x1024xf32> to vector<1024xf32>
      %lt3A = arith.cmpf olt, %reduce_min3A_207, %get3A_386 : vector<1024xf32>
      %select_n3A_387 = arith.select %lt3A, %reduce_min3A_207, %get3A_386 : vector<1024xi1>, vector<1024xf32>
      %swap3A = arith.constant 4 : index
      %swap3A_388 = arith.constant 0 : index
      %swap3A_389 = vector.load %arg6[%swap3A, %swap3A_388] : memref<8x1024xf32, #tpu.memory_space<vmem>>, vector<1x1024xf32>
      %swap3A_390 = vector.shape_cast %swap3A_389 : vector<1x1024xf32> to vector<1024xf32>
      %swap3A_391 = vector.shape_cast %select_n3A_387 : vector<1024xf32> to vector<1x1024xf32>
      tpu.vector_store %arg6[%swap3A, %swap3A_388], %swap3A_391 {strides = array<i32>} : memref<8x1024xf32, #tpu.memory_space<vmem>>, vector<1x1024xf32>,
      %get3A_392 = arith.constant 4 : index
      %get3A_393 = arith.constant 0 : index
      %get3A_394 = vector.load %arg7[%get3A_392, %get3A_393] : memref<8x1024xi32, #tpu.memory_space<vmem>>, vector<1x1024xi32>
      %get3A_395 = vector.shape_cast %get3A_394 : vector<1x1024xi32> to vector<1024xi32>
      %select_n3A_396 = arith.select %lt3A, %add3A_220, %get3A_395 : vector<1024xi1>, vector<1024xi32>
      %swap3A_397 = arith.constant 4 : index
      %swap3A_398 = arith.constant 0 : index
      %swap3A_399 = vector.load %arg7[%swap3A_397, %swap3A_398] : memref<8x1024xi32, #tpu.memory_space<vmem>>, vector<1x1024xi32>
      %swap3A_400 = vector.shape_cast %swap3A_399 : vector<1x1024xi32> to vector<1024xi32>
      %swap3A_401 = vector.shape_cast %select_n3A_396 : vector<1024xi32> to vector<1x1024xi32>
      tpu.vector_store %arg7[%swap3A_397, %swap3A_398], %swap3A_401 {strides = array<i32>} : memref<8x1024xi32, #tpu.memory_space<vmem>>, vector<1x1024xi32>,
    } else {
    }
    %eq3A_231 = arith.constant 15 : i32
    %eq3A_232 = arith.cmpi eq, %arg1, %eq3A_231 : i32
    %convert_element_type3A_233 = arith.extui %eq3A_232 : i1 to i32
    %cond3A_234 = arith.constant 0 : i32
    %cond3A_235 = arith.cmpi ne, %convert_element_type3A_233, %cond3A_234 : i32
    scf.if %cond3A_235 {
      %get3A_383 = arith.constant 4 : index
      %get3A_384 = arith.constant 0 : index
      %get3A_385 = vector.load %arg7[%get3A_383, %get3A_384] : memref<8x1024xi32, #tpu.memory_space<vmem>>, vector<1x1024xi32>
      %get3A_386 = vector.shape_cast %get3A_385 : vector<1x1024xi32> to vector<1024xi32>
      %swap3A = arith.constant 4 : index
      %swap3A_387 = arith.constant 0 : index
      %swap3A_388 = arith.constant 0 : index
      %swap3A_389 = vector.load %arg4[%swap3A, %swap3A_387, %swap3A_388] : memref<8x1x1024xi32, #tpu.memory_space<vmem>>, vector<1x1x1024xi32>
      %swap3A_390 = vector.shape_cast %swap3A_389 : vector<1x1x1024xi32> to vector<1024xi32>
      %swap3A_391 = vector.shape_cast %get3A_386 : vector<1024xi32> to vector<1x1x1024xi32>
      tpu.vector_store %arg4[%swap3A, %swap3A_387, %swap3A_388], %swap3A_391 {strides = array<i32>} : memref<8x1x1024xi32, #tpu.memory_space<vmem>>, vector<1x1x1024xi32>,
      %get3A_392 = arith.constant 4 : index
      %get3A_393 = arith.constant 0 : index
      %get3A_394 = vector.load %arg6[%get3A_392, %get3A_393] : memref<8x1024xf32, #tpu.memory_space<vmem>>, vector<1x1024xf32>
      %get3A_395 = vector.shape_cast %get3A_394 : vector<1x1024xf32> to vector<1024xf32>
      %swap3A_396 = arith.constant 4 : index
      %swap3A_397 = arith.constant 0 : index
      %swap3A_398 = arith.constant 0 : index
      %swap3A_399 = vector.load %arg5[%swap3A_396, %swap3A_397, %swap3A_398] : memref<8x1x1024xf32, #tpu.memory_space<vmem>>, vector<1x1x1024xf32>
      %swap3A_400 = vector.shape_cast %swap3A_399 : vector<1x1x1024xf32> to vector<1024xf32>
      %swap3A_401 = vector.shape_cast %get3A_395 : vector<1024xf32> to vector<1x1x1024xf32>
      tpu.vector_store %arg5[%swap3A_396, %swap3A_397, %swap3A_398], %swap3A_401 {strides = array<i32>} : memref<8x1x1024xf32, #tpu.memory_space<vmem>>, vector<1x1x1024xf32>,
    } else {
    }
    %get3A_236 = arith.constant 5 : index
    %get3A_237 = arith.constant 0 : index
    %get3A_238 = arith.constant 0 : index
    %get3A_239 = vector.load %arg2[%get3A_236, %get3A_237, %get3A_238] : memref<8x256x1024xf32, #tpu.memory_space<vmem>>, vector<1x256x1024xf32>
    %get3A_240 = vector.shape_cast %get3A_239 : vector<1x256x1024xf32> to vector<256x1024xf32>
    %mul3A_241 = arith.mulf %get3A_240, %get3A_240 : vector<256x1024xf32>
    %reduce_sum3A_242 = arith.constant dense<0.000000e+00> : vector<1024xf32>
    %reduce_sum3A_243 = vector.multi_reduction <add>, %mul3A_241, %reduce_sum3A_242 [0] : vector<256x1024xf32> to vector<1024xf32>
    %dot_general3A_244 = arith.constant dense<0.000000e+00> : vector<512x1024xf32>
    %dot_general3A_245 = tpu.matmul %get3A_1, %get3A_240, %dot_general3A_244 {dimension_numbers = #tpu.dot_dimension_numbers<[1], [0], [0], [1], [0, 0, 1, 1], [], []>, transpose_lhs_hint = false} : vector<512x256xf32>, vector<256x1024xf32>, vector<512x1024xf32> -> vector<512x1024xf32>
    %broadcast_in_dim3A_246 = vector.shape_cast %reduce_sum3A_243 : vector<1024xf32> to vector<1x1024xf32>
    %broadcast_in_dim3A_247 = vector.shape_cast %reduce_sum3A_2 : vector<512xf32> to vector<512x1xf32>
    %add3A_248 = vector.broadcast %broadcast_in_dim3A_246 : vector<1x1024xf32> to vector<512x1024xf32>
    %add3A_249 = vector.broadcast %broadcast_in_dim3A_247 : vector<512x1xf32> to vector<512x1024xf32>
    %add3A_250 = arith.addf %add3A_248, %add3A_249 : vector<512x1024xf32>
    %mul3A_251 = arith.constant 2.000000e+00 : f32
    %mul3A_252 = vector.broadcast %mul3A_251 : f32 to vector<512x1024xf32>
    %mul3A_253 = arith.mulf %mul3A_252, %dot_general3A_245 : vector<512x1024xf32>
    %sub3A_254 = arith.subf %add3A_250, %mul3A_253 : vector<512x1024xf32>
    %reduce_min3A_255 = arith.constant dense<0x7F800000> : vector<1024xf32>
    %reduce_min3A_256 = vector.multi_reduction <minimumf>, %sub3A_254, %reduce_min3A_255 [0] : vector<512x1024xf32> to vector<1024xf32>
    %iota3A_257 = tpu.iota {dimensions = array<i32: 0>} : vector<512x1024xi32>
    %broadcast_in_dim3A_258 = vector.shape_cast %reduce_min3A_256 : vector<1024xf32> to vector<1x1024xf32>
    %eq3A_259 = vector.broadcast %broadcast_in_dim3A_258 : vector<1x1024xf32> to vector<512x1024xf32>
    %eq3A_260 = arith.cmpf oeq, %sub3A_254, %eq3A_259 : vector<512x1024xf32>
    %jit3A_261 = arith.constant 512 : i32
    %broadcast_in_dim3A_262 = vector.broadcast %jit3A_261 : i32 to vector<512x1024xi32>
    %select_n3A_263 = arith.select %eq3A_260, %iota3A_257, %broadcast_in_dim3A_262 : vector<512x1024xi1>, vector<512x1024xi32>
    %reduce_min3A_264 = arith.constant dense<2147483647> : vector<1024xi32>
    %reduce_min3A_265 = vector.multi_reduction <minsi>, %select_n3A_263, %reduce_min3A_264 [0] : vector<512x1024xi32> to vector<1024xi32>
    %mul3A_266 = arith.constant 512 : i32
    %mul3A_267 = arith.muli %arg1, %mul3A_266 : i32
    %add3A_268 = vector.broadcast %mul3A_267 : i32 to vector<1024xi32>
    %add3A_269 = arith.addi %reduce_min3A_265, %add3A_268 : vector<1024xi32>
    %eq3A_270 = arith.constant 0 : i32
    %eq3A_271 = arith.cmpi eq, %arg1, %eq3A_270 : i32
    %convert_element_type3A_272 = arith.extui %eq3A_271 : i1 to i32
    %cond3A_273 = arith.constant 0 : i32
    %cond3A_274 = arith.cmpi ne, %convert_element_type3A_272, %cond3A_273 : i32
    scf.if %cond3A_274 {
      %swap3A = arith.constant 5 : index
      %swap3A_383 = arith.constant 0 : index
      %swap3A_384 = vector.load %arg6[%swap3A, %swap3A_383] : memref<8x1024xf32, #tpu.memory_space<vmem>>, vector<1x1024xf32>
      %swap3A_385 = vector.shape_cast %swap3A_384 : vector<1x1024xf32> to vector<1024xf32>
      %swap3A_386 = vector.shape_cast %reduce_min3A_256 : vector<1024xf32> to vector<1x1024xf32>
      tpu.vector_store %arg6[%swap3A, %swap3A_383], %swap3A_386 {strides = array<i32>} : memref<8x1024xf32, #tpu.memory_space<vmem>>, vector<1x1024xf32>,
      %swap3A_387 = arith.constant 5 : index
      %swap3A_388 = arith.constant 0 : index
      %swap3A_389 = vector.load %arg7[%swap3A_387, %swap3A_388] : memref<8x1024xi32, #tpu.memory_space<vmem>>, vector<1x1024xi32>
      %swap3A_390 = vector.shape_cast %swap3A_389 : vector<1x1024xi32> to vector<1024xi32>
      %swap3A_391 = vector.shape_cast %add3A_269 : vector<1024xi32> to vector<1x1024xi32>
      tpu.vector_store %arg7[%swap3A_387, %swap3A_388], %swap3A_391 {strides = array<i32>} : memref<8x1024xi32, #tpu.memory_space<vmem>>, vector<1x1024xi32>,
    } else {
    }
    %gt3A_275 = arith.constant 0 : i32
    %gt3A_276 = arith.cmpi sgt, %arg1, %gt3A_275 : i32
    %convert_element_type3A_277 = arith.extui %gt3A_276 : i1 to i32
    %cond3A_278 = arith.constant 0 : i32
    %cond3A_279 = arith.cmpi ne, %convert_element_type3A_277, %cond3A_278 : i32
    scf.if %cond3A_279 {
      %get3A_383 = arith.constant 5 : index
      %get3A_384 = arith.constant 0 : index
      %get3A_385 = vector.load %arg6[%get3A_383, %get3A_384] : memref<8x1024xf32, #tpu.memory_space<vmem>>, vector<1x1024xf32>
      %get3A_386 = vector.shape_cast %get3A_385 : vector<1x1024xf32> to vector<1024xf32>
      %lt3A = arith.cmpf olt, %reduce_min3A_256, %get3A_386 : vector<1024xf32>
      %select_n3A_387 = arith.select %lt3A, %reduce_min3A_256, %get3A_386 : vector<1024xi1>, vector<1024xf32>
      %swap3A = arith.constant 5 : index
      %swap3A_388 = arith.constant 0 : index
      %swap3A_389 = vector.load %arg6[%swap3A, %swap3A_388] : memref<8x1024xf32, #tpu.memory_space<vmem>>, vector<1x1024xf32>
      %swap3A_390 = vector.shape_cast %swap3A_389 : vector<1x1024xf32> to vector<1024xf32>
      %swap3A_391 = vector.shape_cast %select_n3A_387 : vector<1024xf32> to vector<1x1024xf32>
      tpu.vector_store %arg6[%swap3A, %swap3A_388], %swap3A_391 {strides = array<i32>} : memref<8x1024xf32, #tpu.memory_space<vmem>>, vector<1x1024xf32>,
      %get3A_392 = arith.constant 5 : index
      %get3A_393 = arith.constant 0 : index
      %get3A_394 = vector.load %arg7[%get3A_392, %get3A_393] : memref<8x1024xi32, #tpu.memory_space<vmem>>, vector<1x1024xi32>
      %get3A_395 = vector.shape_cast %get3A_394 : vector<1x1024xi32> to vector<1024xi32>
      %select_n3A_396 = arith.select %lt3A, %add3A_269, %get3A_395 : vector<1024xi1>, vector<1024xi32>
      %swap3A_397 = arith.constant 5 : index
      %swap3A_398 = arith.constant 0 : index
      %swap3A_399 = vector.load %arg7[%swap3A_397, %swap3A_398] : memref<8x1024xi32, #tpu.memory_space<vmem>>, vector<1x1024xi32>
      %swap3A_400 = vector.shape_cast %swap3A_399 : vector<1x1024xi32> to vector<1024xi32>
      %swap3A_401 = vector.shape_cast %select_n3A_396 : vector<1024xi32> to vector<1x1024xi32>
      tpu.vector_store %arg7[%swap3A_397, %swap3A_398], %swap3A_401 {strides = array<i32>} : memref<8x1024xi32, #tpu.memory_space<vmem>>, vector<1x1024xi32>,
    } else {
    }
    %eq3A_280 = arith.constant 15 : i32
    %eq3A_281 = arith.cmpi eq, %arg1, %eq3A_280 : i32
    %convert_element_type3A_282 = arith.extui %eq3A_281 : i1 to i32
    %cond3A_283 = arith.constant 0 : i32
    %cond3A_284 = arith.cmpi ne, %convert_element_type3A_282, %cond3A_283 : i32
    scf.if %cond3A_284 {
      %get3A_383 = arith.constant 5 : index
      %get3A_384 = arith.constant 0 : index
      %get3A_385 = vector.load %arg7[%get3A_383, %get3A_384] : memref<8x1024xi32, #tpu.memory_space<vmem>>, vector<1x1024xi32>
      %get3A_386 = vector.shape_cast %get3A_385 : vector<1x1024xi32> to vector<1024xi32>
      %swap3A = arith.constant 5 : index
      %swap3A_387 = arith.constant 0 : index
      %swap3A_388 = arith.constant 0 : index
      %swap3A_389 = vector.load %arg4[%swap3A, %swap3A_387, %swap3A_388] : memref<8x1x1024xi32, #tpu.memory_space<vmem>>, vector<1x1x1024xi32>
      %swap3A_390 = vector.shape_cast %swap3A_389 : vector<1x1x1024xi32> to vector<1024xi32>
      %swap3A_391 = vector.shape_cast %get3A_386 : vector<1024xi32> to vector<1x1x1024xi32>
      tpu.vector_store %arg4[%swap3A, %swap3A_387, %swap3A_388], %swap3A_391 {strides = array<i32>} : memref<8x1x1024xi32, #tpu.memory_space<vmem>>, vector<1x1x1024xi32>,
      %get3A_392 = arith.constant 5 : index
      %get3A_393 = arith.constant 0 : index
      %get3A_394 = vector.load %arg6[%get3A_392, %get3A_393] : memref<8x1024xf32, #tpu.memory_space<vmem>>, vector<1x1024xf32>
      %get3A_395 = vector.shape_cast %get3A_394 : vector<1x1024xf32> to vector<1024xf32>
      %swap3A_396 = arith.constant 5 : index
      %swap3A_397 = arith.constant 0 : index
      %swap3A_398 = arith.constant 0 : index
      %swap3A_399 = vector.load %arg5[%swap3A_396, %swap3A_397, %swap3A_398] : memref<8x1x1024xf32, #tpu.memory_space<vmem>>, vector<1x1x1024xf32>
      %swap3A_400 = vector.shape_cast %swap3A_399 : vector<1x1x1024xf32> to vector<1024xf32>
      %swap3A_401 = vector.shape_cast %get3A_395 : vector<1024xf32> to vector<1x1x1024xf32>
      tpu.vector_store %arg5[%swap3A_396, %swap3A_397, %swap3A_398], %swap3A_401 {strides = array<i32>} : memref<8x1x1024xf32, #tpu.memory_space<vmem>>, vector<1x1x1024xf32>,
    } else {
    }
    %get3A_285 = arith.constant 6 : index
    %get3A_286 = arith.constant 0 : index
    %get3A_287 = arith.constant 0 : index
    %get3A_288 = vector.load %arg2[%get3A_285, %get3A_286, %get3A_287] : memref<8x256x1024xf32, #tpu.memory_space<vmem>>, vector<1x256x1024xf32>
    %get3A_289 = vector.shape_cast %get3A_288 : vector<1x256x1024xf32> to vector<256x1024xf32>
    %mul3A_290 = arith.mulf %get3A_289, %get3A_289 : vector<256x1024xf32>
    %reduce_sum3A_291 = arith.constant dense<0.000000e+00> : vector<1024xf32>
    %reduce_sum3A_292 = vector.multi_reduction <add>, %mul3A_290, %reduce_sum3A_291 [0] : vector<256x1024xf32> to vector<1024xf32>
    %dot_general3A_293 = arith.constant dense<0.000000e+00> : vector<512x1024xf32>
    %dot_general3A_294 = tpu.matmul %get3A_1, %get3A_289, %dot_general3A_293 {dimension_numbers = #tpu.dot_dimension_numbers<[1], [0], [0], [1], [0, 0, 1, 1], [], []>, transpose_lhs_hint = false} : vector<512x256xf32>, vector<256x1024xf32>, vector<512x1024xf32> -> vector<512x1024xf32>
    %broadcast_in_dim3A_295 = vector.shape_cast %reduce_sum3A_292 : vector<1024xf32> to vector<1x1024xf32>
    %broadcast_in_dim3A_296 = vector.shape_cast %reduce_sum3A_2 : vector<512xf32> to vector<512x1xf32>
    %add3A_297 = vector.broadcast %broadcast_in_dim3A_295 : vector<1x1024xf32> to vector<512x1024xf32>
    %add3A_298 = vector.broadcast %broadcast_in_dim3A_296 : vector<512x1xf32> to vector<512x1024xf32>
    %add3A_299 = arith.addf %add3A_297, %add3A_298 : vector<512x1024xf32>
    %mul3A_300 = arith.constant 2.000000e+00 : f32
    %mul3A_301 = vector.broadcast %mul3A_300 : f32 to vector<512x1024xf32>
    %mul3A_302 = arith.mulf %mul3A_301, %dot_general3A_294 : vector<512x1024xf32>
    %sub3A_303 = arith.subf %add3A_299, %mul3A_302 : vector<512x1024xf32>
    %reduce_min3A_304 = arith.constant dense<0x7F800000> : vector<1024xf32>
    %reduce_min3A_305 = vector.multi_reduction <minimumf>, %sub3A_303, %reduce_min3A_304 [0] : vector<512x1024xf32> to vector<1024xf32>
    %iota3A_306 = tpu.iota {dimensions = array<i32: 0>} : vector<512x1024xi32>
    %broadcast_in_dim3A_307 = vector.shape_cast %reduce_min3A_305 : vector<1024xf32> to vector<1x1024xf32>
    %eq3A_308 = vector.broadcast %broadcast_in_dim3A_307 : vector<1x1024xf32> to vector<512x1024xf32>
    %eq3A_309 = arith.cmpf oeq, %sub3A_303, %eq3A_308 : vector<512x1024xf32>
    %jit3A_310 = arith.constant 512 : i32
    %broadcast_in_dim3A_311 = vector.broadcast %jit3A_310 : i32 to vector<512x1024xi32>
    %select_n3A_312 = arith.select %eq3A_309, %iota3A_306, %broadcast_in_dim3A_311 : vector<512x1024xi1>, vector<512x1024xi32>
    %reduce_min3A_313 = arith.constant dense<2147483647> : vector<1024xi32>
    %reduce_min3A_314 = vector.multi_reduction <minsi>, %select_n3A_312, %reduce_min3A_313 [0] : vector<512x1024xi32> to vector<1024xi32>
    %mul3A_315 = arith.constant 512 : i32
    %mul3A_316 = arith.muli %arg1, %mul3A_315 : i32
    %add3A_317 = vector.broadcast %mul3A_316 : i32 to vector<1024xi32>
    %add3A_318 = arith.addi %reduce_min3A_314, %add3A_317 : vector<1024xi32>
    %eq3A_319 = arith.constant 0 : i32
    %eq3A_320 = arith.cmpi eq, %arg1, %eq3A_319 : i32
    %convert_element_type3A_321 = arith.extui %eq3A_320 : i1 to i32
    %cond3A_322 = arith.constant 0 : i32
    %cond3A_323 = arith.cmpi ne, %convert_element_type3A_321, %cond3A_322 : i32
    scf.if %cond3A_323 {
      %swap3A = arith.constant 6 : index
      %swap3A_383 = arith.constant 0 : index
      %swap3A_384 = vector.load %arg6[%swap3A, %swap3A_383] : memref<8x1024xf32, #tpu.memory_space<vmem>>, vector<1x1024xf32>
      %swap3A_385 = vector.shape_cast %swap3A_384 : vector<1x1024xf32> to vector<1024xf32>
      %swap3A_386 = vector.shape_cast %reduce_min3A_305 : vector<1024xf32> to vector<1x1024xf32>
      tpu.vector_store %arg6[%swap3A, %swap3A_383], %swap3A_386 {strides = array<i32>} : memref<8x1024xf32, #tpu.memory_space<vmem>>, vector<1x1024xf32>,
      %swap3A_387 = arith.constant 6 : index
      %swap3A_388 = arith.constant 0 : index
      %swap3A_389 = vector.load %arg7[%swap3A_387, %swap3A_388] : memref<8x1024xi32, #tpu.memory_space<vmem>>, vector<1x1024xi32>
      %swap3A_390 = vector.shape_cast %swap3A_389 : vector<1x1024xi32> to vector<1024xi32>
      %swap3A_391 = vector.shape_cast %add3A_318 : vector<1024xi32> to vector<1x1024xi32>
      tpu.vector_store %arg7[%swap3A_387, %swap3A_388], %swap3A_391 {strides = array<i32>} : memref<8x1024xi32, #tpu.memory_space<vmem>>, vector<1x1024xi32>,
    } else {
    }
    %gt3A_324 = arith.constant 0 : i32
    %gt3A_325 = arith.cmpi sgt, %arg1, %gt3A_324 : i32
    %convert_element_type3A_326 = arith.extui %gt3A_325 : i1 to i32
    %cond3A_327 = arith.constant 0 : i32
    %cond3A_328 = arith.cmpi ne, %convert_element_type3A_326, %cond3A_327 : i32
    scf.if %cond3A_328 {
      %get3A_383 = arith.constant 6 : index
      %get3A_384 = arith.constant 0 : index
      %get3A_385 = vector.load %arg6[%get3A_383, %get3A_384] : memref<8x1024xf32, #tpu.memory_space<vmem>>, vector<1x1024xf32>
      %get3A_386 = vector.shape_cast %get3A_385 : vector<1x1024xf32> to vector<1024xf32>
      %lt3A = arith.cmpf olt, %reduce_min3A_305, %get3A_386 : vector<1024xf32>
      %select_n3A_387 = arith.select %lt3A, %reduce_min3A_305, %get3A_386 : vector<1024xi1>, vector<1024xf32>
      %swap3A = arith.constant 6 : index
      %swap3A_388 = arith.constant 0 : index
      %swap3A_389 = vector.load %arg6[%swap3A, %swap3A_388] : memref<8x1024xf32, #tpu.memory_space<vmem>>, vector<1x1024xf32>
      %swap3A_390 = vector.shape_cast %swap3A_389 : vector<1x1024xf32> to vector<1024xf32>
      %swap3A_391 = vector.shape_cast %select_n3A_387 : vector<1024xf32> to vector<1x1024xf32>
      tpu.vector_store %arg6[%swap3A, %swap3A_388], %swap3A_391 {strides = array<i32>} : memref<8x1024xf32, #tpu.memory_space<vmem>>, vector<1x1024xf32>,
      %get3A_392 = arith.constant 6 : index
      %get3A_393 = arith.constant 0 : index
      %get3A_394 = vector.load %arg7[%get3A_392, %get3A_393] : memref<8x1024xi32, #tpu.memory_space<vmem>>, vector<1x1024xi32>
      %get3A_395 = vector.shape_cast %get3A_394 : vector<1x1024xi32> to vector<1024xi32>
      %select_n3A_396 = arith.select %lt3A, %add3A_318, %get3A_395 : vector<1024xi1>, vector<1024xi32>
      %swap3A_397 = arith.constant 6 : index
      %swap3A_398 = arith.constant 0 : index
      %swap3A_399 = vector.load %arg7[%swap3A_397, %swap3A_398] : memref<8x1024xi32, #tpu.memory_space<vmem>>, vector<1x1024xi32>
      %swap3A_400 = vector.shape_cast %swap3A_399 : vector<1x1024xi32> to vector<1024xi32>
      %swap3A_401 = vector.shape_cast %select_n3A_396 : vector<1024xi32> to vector<1x1024xi32>
      tpu.vector_store %arg7[%swap3A_397, %swap3A_398], %swap3A_401 {strides = array<i32>} : memref<8x1024xi32, #tpu.memory_space<vmem>>, vector<1x1024xi32>,
    } else {
    }
    %eq3A_329 = arith.constant 15 : i32
    %eq3A_330 = arith.cmpi eq, %arg1, %eq3A_329 : i32
    %convert_element_type3A_331 = arith.extui %eq3A_330 : i1 to i32
    %cond3A_332 = arith.constant 0 : i32
    %cond3A_333 = arith.cmpi ne, %convert_element_type3A_331, %cond3A_332 : i32
    scf.if %cond3A_333 {
      %get3A_383 = arith.constant 6 : index
      %get3A_384 = arith.constant 0 : index
      %get3A_385 = vector.load %arg7[%get3A_383, %get3A_384] : memref<8x1024xi32, #tpu.memory_space<vmem>>, vector<1x1024xi32>
      %get3A_386 = vector.shape_cast %get3A_385 : vector<1x1024xi32> to vector<1024xi32>
      %swap3A = arith.constant 6 : index
      %swap3A_387 = arith.constant 0 : index
      %swap3A_388 = arith.constant 0 : index
      %swap3A_389 = vector.load %arg4[%swap3A, %swap3A_387, %swap3A_388] : memref<8x1x1024xi32, #tpu.memory_space<vmem>>, vector<1x1x1024xi32>
      %swap3A_390 = vector.shape_cast %swap3A_389 : vector<1x1x1024xi32> to vector<1024xi32>
      %swap3A_391 = vector.shape_cast %get3A_386 : vector<1024xi32> to vector<1x1x1024xi32>
      tpu.vector_store %arg4[%swap3A, %swap3A_387, %swap3A_388], %swap3A_391 {strides = array<i32>} : memref<8x1x1024xi32, #tpu.memory_space<vmem>>, vector<1x1x1024xi32>,
      %get3A_392 = arith.constant 6 : index
      %get3A_393 = arith.constant 0 : index
      %get3A_394 = vector.load %arg6[%get3A_392, %get3A_393] : memref<8x1024xf32, #tpu.memory_space<vmem>>, vector<1x1024xf32>
      %get3A_395 = vector.shape_cast %get3A_394 : vector<1x1024xf32> to vector<1024xf32>
      %swap3A_396 = arith.constant 6 : index
      %swap3A_397 = arith.constant 0 : index
      %swap3A_398 = arith.constant 0 : index
      %swap3A_399 = vector.load %arg5[%swap3A_396, %swap3A_397, %swap3A_398] : memref<8x1x1024xf32, #tpu.memory_space<vmem>>, vector<1x1x1024xf32>
      %swap3A_400 = vector.shape_cast %swap3A_399 : vector<1x1x1024xf32> to vector<1024xf32>
      %swap3A_401 = vector.shape_cast %get3A_395 : vector<1024xf32> to vector<1x1x1024xf32>
      tpu.vector_store %arg5[%swap3A_396, %swap3A_397, %swap3A_398], %swap3A_401 {strides = array<i32>} : memref<8x1x1024xf32, #tpu.memory_space<vmem>>, vector<1x1x1024xf32>,
    } else {
    }
    %get3A_334 = arith.constant 7 : index
    %get3A_335 = arith.constant 0 : index
    %get3A_336 = arith.constant 0 : index
    %get3A_337 = vector.load %arg2[%get3A_334, %get3A_335, %get3A_336] : memref<8x256x1024xf32, #tpu.memory_space<vmem>>, vector<1x256x1024xf32>
    %get3A_338 = vector.shape_cast %get3A_337 : vector<1x256x1024xf32> to vector<256x1024xf32>
    %mul3A_339 = arith.mulf %get3A_338, %get3A_338 : vector<256x1024xf32>
    %reduce_sum3A_340 = arith.constant dense<0.000000e+00> : vector<1024xf32>
    %reduce_sum3A_341 = vector.multi_reduction <add>, %mul3A_339, %reduce_sum3A_340 [0] : vector<256x1024xf32> to vector<1024xf32>
    %dot_general3A_342 = arith.constant dense<0.000000e+00> : vector<512x1024xf32>
    %dot_general3A_343 = tpu.matmul %get3A_1, %get3A_338, %dot_general3A_342 {dimension_numbers = #tpu.dot_dimension_numbers<[1], [0], [0], [1], [0, 0, 1, 1], [], []>, transpose_lhs_hint = false} : vector<512x256xf32>, vector<256x1024xf32>, vector<512x1024xf32> -> vector<512x1024xf32>
    %broadcast_in_dim3A_344 = vector.shape_cast %reduce_sum3A_341 : vector<1024xf32> to vector<1x1024xf32>
    %broadcast_in_dim3A_345 = vector.shape_cast %reduce_sum3A_2 : vector<512xf32> to vector<512x1xf32>
    %add3A_346 = vector.broadcast %broadcast_in_dim3A_344 : vector<1x1024xf32> to vector<512x1024xf32>
    %add3A_347 = vector.broadcast %broadcast_in_dim3A_345 : vector<512x1xf32> to vector<512x1024xf32>
    %add3A_348 = arith.addf %add3A_346, %add3A_347 : vector<512x1024xf32>
    %mul3A_349 = arith.constant 2.000000e+00 : f32
    %mul3A_350 = vector.broadcast %mul3A_349 : f32 to vector<512x1024xf32>
    %mul3A_351 = arith.mulf %mul3A_350, %dot_general3A_343 : vector<512x1024xf32>
    %sub3A_352 = arith.subf %add3A_348, %mul3A_351 : vector<512x1024xf32>
    %reduce_min3A_353 = arith.constant dense<0x7F800000> : vector<1024xf32>
    %reduce_min3A_354 = vector.multi_reduction <minimumf>, %sub3A_352, %reduce_min3A_353 [0] : vector<512x1024xf32> to vector<1024xf32>
    %iota3A_355 = tpu.iota {dimensions = array<i32: 0>} : vector<512x1024xi32>
    %broadcast_in_dim3A_356 = vector.shape_cast %reduce_min3A_354 : vector<1024xf32> to vector<1x1024xf32>
    %eq3A_357 = vector.broadcast %broadcast_in_dim3A_356 : vector<1x1024xf32> to vector<512x1024xf32>
    %eq3A_358 = arith.cmpf oeq, %sub3A_352, %eq3A_357 : vector<512x1024xf32>
    %jit3A_359 = arith.constant 512 : i32
    %broadcast_in_dim3A_360 = vector.broadcast %jit3A_359 : i32 to vector<512x1024xi32>
    %select_n3A_361 = arith.select %eq3A_358, %iota3A_355, %broadcast_in_dim3A_360 : vector<512x1024xi1>, vector<512x1024xi32>
    %reduce_min3A_362 = arith.constant dense<2147483647> : vector<1024xi32>
    %reduce_min3A_363 = vector.multi_reduction <minsi>, %select_n3A_361, %reduce_min3A_362 [0] : vector<512x1024xi32> to vector<1024xi32>
    %mul3A_364 = arith.constant 512 : i32
    %mul3A_365 = arith.muli %arg1, %mul3A_364 : i32
    %add3A_366 = vector.broadcast %mul3A_365 : i32 to vector<1024xi32>
    %add3A_367 = arith.addi %reduce_min3A_363, %add3A_366 : vector<1024xi32>
    %eq3A_368 = arith.constant 0 : i32
    %eq3A_369 = arith.cmpi eq, %arg1, %eq3A_368 : i32
    %convert_element_type3A_370 = arith.extui %eq3A_369 : i1 to i32
    %cond3A_371 = arith.constant 0 : i32
    %cond3A_372 = arith.cmpi ne, %convert_element_type3A_370, %cond3A_371 : i32
    scf.if %cond3A_372 {
      %swap3A = arith.constant 7 : index
      %swap3A_383 = arith.constant 0 : index
      %swap3A_384 = vector.load %arg6[%swap3A, %swap3A_383] : memref<8x1024xf32, #tpu.memory_space<vmem>>, vector<1x1024xf32>
      %swap3A_385 = vector.shape_cast %swap3A_384 : vector<1x1024xf32> to vector<1024xf32>
      %swap3A_386 = vector.shape_cast %reduce_min3A_354 : vector<1024xf32> to vector<1x1024xf32>
      tpu.vector_store %arg6[%swap3A, %swap3A_383], %swap3A_386 {strides = array<i32>} : memref<8x1024xf32, #tpu.memory_space<vmem>>, vector<1x1024xf32>,
      %swap3A_387 = arith.constant 7 : index
      %swap3A_388 = arith.constant 0 : index
      %swap3A_389 = vector.load %arg7[%swap3A_387, %swap3A_388] : memref<8x1024xi32, #tpu.memory_space<vmem>>, vector<1x1024xi32>
      %swap3A_390 = vector.shape_cast %swap3A_389 : vector<1x1024xi32> to vector<1024xi32>
      %swap3A_391 = vector.shape_cast %add3A_367 : vector<1024xi32> to vector<1x1024xi32>
      tpu.vector_store %arg7[%swap3A_387, %swap3A_388], %swap3A_391 {strides = array<i32>} : memref<8x1024xi32, #tpu.memory_space<vmem>>, vector<1x1024xi32>,
    } else {
    }
    %gt3A_373 = arith.constant 0 : i32
    %gt3A_374 = arith.cmpi sgt, %arg1, %gt3A_373 : i32
    %convert_element_type3A_375 = arith.extui %gt3A_374 : i1 to i32
    %cond3A_376 = arith.constant 0 : i32
    %cond3A_377 = arith.cmpi ne, %convert_element_type3A_375, %cond3A_376 : i32
    scf.if %cond3A_377 {
      %get3A_383 = arith.constant 7 : index
      %get3A_384 = arith.constant 0 : index
      %get3A_385 = vector.load %arg6[%get3A_383, %get3A_384] : memref<8x1024xf32, #tpu.memory_space<vmem>>, vector<1x1024xf32>
      %get3A_386 = vector.shape_cast %get3A_385 : vector<1x1024xf32> to vector<1024xf32>
      %lt3A = arith.cmpf olt, %reduce_min3A_354, %get3A_386 : vector<1024xf32>
      %select_n3A_387 = arith.select %lt3A, %reduce_min3A_354, %get3A_386 : vector<1024xi1>, vector<1024xf32>
      %swap3A = arith.constant 7 : index
      %swap3A_388 = arith.constant 0 : index
      %swap3A_389 = vector.load %arg6[%swap3A, %swap3A_388] : memref<8x1024xf32, #tpu.memory_space<vmem>>, vector<1x1024xf32>
      %swap3A_390 = vector.shape_cast %swap3A_389 : vector<1x1024xf32> to vector<1024xf32>
      %swap3A_391 = vector.shape_cast %select_n3A_387 : vector<1024xf32> to vector<1x1024xf32>
      tpu.vector_store %arg6[%swap3A, %swap3A_388], %swap3A_391 {strides = array<i32>} : memref<8x1024xf32, #tpu.memory_space<vmem>>, vector<1x1024xf32>,
      %get3A_392 = arith.constant 7 : index
      %get3A_393 = arith.constant 0 : index
      %get3A_394 = vector.load %arg7[%get3A_392, %get3A_393] : memref<8x1024xi32, #tpu.memory_space<vmem>>, vector<1x1024xi32>
      %get3A_395 = vector.shape_cast %get3A_394 : vector<1x1024xi32> to vector<1024xi32>
      %select_n3A_396 = arith.select %lt3A, %add3A_367, %get3A_395 : vector<1024xi1>, vector<1024xi32>
      %swap3A_397 = arith.constant 7 : index
      %swap3A_398 = arith.constant 0 : index
      %swap3A_399 = vector.load %arg7[%swap3A_397, %swap3A_398] : memref<8x1024xi32, #tpu.memory_space<vmem>>, vector<1x1024xi32>
      %swap3A_400 = vector.shape_cast %swap3A_399 : vector<1x1024xi32> to vector<1024xi32>
      %swap3A_401 = vector.shape_cast %select_n3A_396 : vector<1024xi32> to vector<1x1024xi32>
      tpu.vector_store %arg7[%swap3A_397, %swap3A_398], %swap3A_401 {strides = array<i32>} : memref<8x1024xi32, #tpu.memory_space<vmem>>, vector<1x1024xi32>,
    } else {
    }
    %eq3A_378 = arith.constant 15 : i32
    %eq3A_379 = arith.cmpi eq, %arg1, %eq3A_378 : i32
    %convert_element_type3A_380 = arith.extui %eq3A_379 : i1 to i32
    %cond3A_381 = arith.constant 0 : i32
    %cond3A_382 = arith.cmpi ne, %convert_element_type3A_380, %cond3A_381 : i32
    scf.if %cond3A_382 {
      %get3A_383 = arith.constant 7 : index
      %get3A_384 = arith.constant 0 : index
      %get3A_385 = vector.load %arg7[%get3A_383, %get3A_384] : memref<8x1024xi32, #tpu.memory_space<vmem>>, vector<1x1024xi32>
      %get3A_386 = vector.shape_cast %get3A_385 : vector<1x1024xi32> to vector<1024xi32>
      %swap3A = arith.constant 7 : index
      %swap3A_387 = arith.constant 0 : index
      %swap3A_388 = arith.constant 0 : index
      %swap3A_389 = vector.load %arg4[%swap3A, %swap3A_387, %swap3A_388] : memref<8x1x1024xi32, #tpu.memory_space<vmem>>, vector<1x1x1024xi32>
      %swap3A_390 = vector.shape_cast %swap3A_389 : vector<1x1x1024xi32> to vector<1024xi32>
      %swap3A_391 = vector.shape_cast %get3A_386 : vector<1024xi32> to vector<1x1x1024xi32>
      tpu.vector_store %arg4[%swap3A, %swap3A_387, %swap3A_388], %swap3A_391 {strides = array<i32>} : memref<8x1x1024xi32, #tpu.memory_space<vmem>>, vector<1x1x1024xi32>,
      %get3A_392 = arith.constant 7 : index
      %get3A_393 = arith.constant 0 : index
      %get3A_394 = vector.load %arg6[%get3A_392, %get3A_393] : memref<8x1024xf32, #tpu.memory_space<vmem>>, vector<1x1024xf32>
      %get3A_395 = vector.shape_cast %get3A_394 : vector<1x1024xf32> to vector<1024xf32>
      %swap3A_396 = arith.constant 7 : index
      %swap3A_397 = arith.constant 0 : index
      %swap3A_398 = arith.constant 0 : index
      %swap3A_399 = vector.load %arg5[%swap3A_396, %swap3A_397, %swap3A_398] : memref<8x1x1024xf32, #tpu.memory_space<vmem>>, vector<1x1x1024xf32>
      %swap3A_400 = vector.shape_cast %swap3A_399 : vector<1x1x1024xf32> to vector<1024xf32>
      %swap3A_401 = vector.shape_cast %get3A_395 : vector<1024xf32> to vector<1x1x1024xf32>
      tpu.vector_store %arg5[%swap3A_396, %swap3A_397, %swap3A_398], %swap3A_401 {strides = array<i32>} : memref<8x1x1024xf32, #tpu.memory_space<vmem>>, vector<1x1x1024xf32>,
    } else {
    }
    return
  }
  func.func @transform_0(%arg0: i32, %arg1: i32) -> (i32, i32, i32) {
    %c0_i32 = arith.constant 0 : i32
    %c0_i32_0 = arith.constant 0 : i32
    %c0_i32_1 = arith.constant 0 : i32
    return %arg0, %c0_i32, %c0_i32_0 : i32, i32, i32
  }
  func.func @transform_1(%arg0: i32, %arg1: i32) -> (i32, i32) {
    %c0_i32 = arith.constant 0 : i32
    %c0_i32_0 = arith.constant 0 : i32
    return %arg1, %c0_i32 : i32, i32
  }
  func.func @transform_2(%arg0: i32, %arg1: i32) -> (i32, i32, i32) {
    %c0_i32 = arith.constant 0 : i32
    %c0_i32_0 = arith.constant 0 : i32
    %c0_i32_1 = arith.constant 0 : i32
    return %arg0, %c0_i32, %c0_i32_0 : i32, i32, i32
  }
  func.func @transform_3(%arg0: i32, %arg1: i32) -> (i32, i32, i32) {
    %c0_i32 = arith.constant 0 : i32
    %c0_i32_0 = arith.constant 0 : i32
    %c0_i32_1 = arith.constant 0 : i32
    return %arg0, %c0_i32, %c0_i32_0 : i32, i32, i32
  }
}

</mosaic_0001>

<sc_bundles>
// kernel: kernel.5.cloned.1.call-start
scs
__scs_entry_jumppad:
0x0: {  	(pc) =	sbr.rel $0x88, $3  }
0x1: {  	(tag) =	ssettag $0x0;
	lr =	simm.s32 $0x1  }
0x2: {  	[smem:$0x3F9F] =	sst lr;
	_ =	strace $0xD0000000  }
0x3: {  	_ = 	snop  }
0x4: {  	_ = 	snop  }
0x5: {  	_ = 	snop  }
0x6: {  	_ = 	snop  }
0x7: {  	_ = 	snop  }
__scs_overlays_trampoline_lowered:
0x8: {  	[smem:$0x3FAE] =	sst s0  }
0x9: {  	[smem:$0x3FAF] =	sst s1  }
0xa: {  	[smem:$0x3FB0] =	sst s2  }
0xb: {  	[smem:$0x3FB1] =	sst s3  }
0xc: {  	[smem:$0x3FB2] =	sst s4  }
0xd: {  	[smem:$0x3FB3] =	sst s5  }
0xe: {  	[smem:$0x3FB4] =	sst s6  }
0xf: {  	[smem:$0x3FB5] =	sst s7  }
0x10: {  	[smem:$0x3FB6] =	sst s8  }
0x11: {  	[smem:$0x3FB7] =	sst s9;
	s0 =	simm.s32 @!p0 $0x0  }
0x12: {  	s1 =	sld [smem:$0x3F9D];
	s0 =	simm.s32 @p0 $0x1  }
0x13: {  	[smem:$0x3FB8] =	sst s0;
	s0 =	simm.s32 @!p1 $0x0  }
0x14: {  	s2 =	sld [smem:$0x3F9C];
	s0 =	simm.s32 @p1 $0x1  }
0x15: {  	[smem:$0x3FB9] =	sst s0;
	s0 =	simm.s32 @!p2 $0x0  }
0x16: {  	s3 =	sld [smem:$0x3FDB];
	s0 =	simm.s32 @p2 $0x1  }
0x17: {  	s4 =	simm.s32 $0x1BF5;
	[smem:$0x3FBB] =	sst s0  }
0x18: {  	s0 =	sld [smem:$0x3F9E];
	_ =	swait.ge [sflag:s4], $0x0  }
0x19: {  	s7 =	sld [smem:$0x3F9F]  }
0x1a: {  	s8 =	sadd.s32 $0xFFFFE003, lr  }
0x1b: {  	s9 =	sadd.s32 $0xFFFFFEF7, lr;
	s5 =	simm.s32 $0xFFFFFFFF;
	p2 =	slt.u32 s8, $0xFFFFF086  }
0x1c: {  	p1 =	slt.u32 s9, $0xF7A;
	s5 =	simm.s32 @!p2 $0x0  }
0x1d: {  	s5 =	simm.s32 @p1 $0x1;
	p0 =	seq.s32 s7, s2  }
0x1e: {  	s7 =	smul.u32 @!p0 $0xF7A, s2;
	p2 =	seq.s32 @!p0 s5, $0x0  }
0x1f: {  	s9 =	smul.u32 $0xF7A, s1;
	s8 =	simm.s32 @!p0 $0x1BF5;
	p2 =	por !p2, p0  }
0x20: {  	[sflag:s8] =	ssyncset.s32 @!p0 $0xFFFFF086;
	s6 =	sadd.s32 @!p0 s3, s7;
	s7 =	simm.s32 @!p0 $0x108  }
0x21: {  	s3 =	sadd.s32 s3, s9;
	s6 =	sadd.s32 @!p0 $0x88, s6;
	s7 =	simm.s32 @p2 $0x1082  }
0x22: {  	[simem:s7], [sflag:s8] =	dma.local @!p0 [hbm:s6], $0xF7A  }
0x23: {  	s9 =	sor.u32 $0xD0000000, s2;
	s6 =	simm.s32 $0x108;
	_ =	swait.ge @!p0 [sflag:s8], $0x0  }
0x24: {  	s3 =	sadd.s32 $0x88, s3;
	s6 =	simm.s32 @!p1 $0x1082;
	[sflag:s4] =	ssyncset.s32 $0xFFFFF086  }
0x25: {  	[simem:s6], [sflag:s4] =	dma.local [hbm:s3], $0xF7A  }
0x26: {  	[smem:$0x3F9F] =	sst s1;
	(tag) =	ssettag s2;
	_ =	strace s9  }
0x27: {  	s1 =	sld [smem:$0x3FAF]  }
0x28: {  	s2 =	sld [smem:$0x3FB0]  }
0x29: {  	s4 =	sld [smem:$0x3FB2]  }
0x2a: {  	p0 =	seq.s32 s5, $0x0;
	s5 =	sld [smem:$0x3FB3]  }
0x2b: {  	s6 =	sld [smem:$0x3FB4]  }
0x2c: {  	s7 =	sld [smem:$0x3FB5]  }
0x2d: {  	s3 =	simm.s32 $0x108;
	s8 =	sld [smem:$0x3FB6]  }
0x2e: {  	s3 =	simm.s32 @!p0 $0x1082;
	s9 =	sld [smem:$0x3FB7]  }
0x2f: {  	lr =	sadd.s32 s0, s3;
	s0 =	sld [smem:$0x3FAE]  }
0x30: {  	s3 =	sld [smem:$0x3FB1]  }
0x31: {  	[smem:$0x3FBA] =	sst s10  }
0x32: {  	s10 =	sld [smem:$0x3FB8];
	_ =	sdelay $0x3  }
0x33: {  	p0 =	seq.s32 s10, $0x1;
	s10 =	sld [smem:$0x3FBA];
	_ =	sdelay $0x3  }
0x34: {  	[smem:$0x3FBA] =	sst s10  }
0x35: {  	s10 =	sld [smem:$0x3FB9];
	_ =	sdelay $0x3  }
0x36: {  	p1 =	seq.s32 s10, $0x1;
	s10 =	sld [smem:$0x3FBA];
	_ =	sdelay $0x3  }
0x37: {  	[smem:$0x3FBA] =	sst s10  }
0x38: {  	s10 =	sld [smem:$0x3FBB]  }
0x39: {  	_ = 	snop;
	(pc) =	sbr.ind lr, $3  }
0x3a: {  	_ = 	snop  }
0x3b: {  	_ = 	snop  }
0x3c: {  	p2 =	seq.s32 s10, $0x1;
	s10 =	sld [smem:$0x3FBA]  }
0x3d: {  	_ =	shalt  }
0x3e: {  	_ =	shalt  }
0x3f: {  	_ =	shalt  }
0x40: {  	_ =	shalt  }
0x41: {  	_ =	shalt  }
0x42: {  	_ =	shalt  }
0x43: {  	_ =	shalt  }
0x44: {  	_ =	shalt  }
0x45: {  	_ =	shalt  }
0x46: {  	_ =	shalt  }
0x47: {  	_ =	shalt  }
0x48: {  	_ =	shalt  }
0x49: {  	_ =	shalt  }
0x4a: {  	_ =	shalt  }
0x4b: {  	_ =	shalt  }
0x4c: {  	_ =	shalt  }
0x4d: {  	_ =	shalt  }
0x4e: {  	_ =	shalt  }
0x4f: {  	_ =	shalt  }
0x50: {  	_ =	shalt  }
0x51: {  	_ =	shalt  }
0x52: {  	_ =	shalt  }
0x53: {  	_ =	shalt  }
0x54: {  	_ =	shalt  }
0x55: {  	_ =	shalt  }
0x56: {  	_ =	shalt  }
0x57: {  	_ =	shalt  }
0x58: {  	_ =	shalt  }
0x59: {  	_ =	shalt  }
0x5a: {  	_ =	shalt  }
0x5b: {  	_ =	shalt  }
0x5c: {  	_ =	shalt  }
0x5d: {  	_ =	shalt  }
0x5e: {  	_ =	shalt  }
0x5f: {  	_ =	shalt  }
0x60: {  	_ =	shalt  }
0x61: {  	_ =	shalt  }
0x62: {  	_ =	shalt  }
0x63: {  	_ =	shalt  }
0x64: {  	_ =	shalt  }
0x65: {  	_ =	shalt  }
0x66: {  	_ =	shalt  }
0x67: {  	_ =	shalt  }
0x68: {  	_ =	shalt  }
0x69: {  	_ =	shalt  }
0x6a: {  	_ =	shalt  }
0x6b: {  	_ =	shalt  }
0x6c: {  	_ =	shalt  }
0x6d: {  	_ =	shalt  }
0x6e: {  	_ =	shalt  }
0x6f: {  	_ =	shalt  }
0x70: {  	_ =	shalt  }
0x71: {  	_ =	shalt  }
0x72: {  	_ =	shalt  }
0x73: {  	_ =	shalt  }
0x74: {  	_ =	shalt  }
0x75: {  	_ =	shalt  }
0x76: {  	_ =	shalt  }
0x77: {  	_ =	shalt  }
0x78: {  	_ =	shalt  }
0x79: {  	_ =	shalt  }
0x7a: {  	_ =	shalt  }
0x7b: {  	_ =	shalt  }
0x7c: {  	_ =	shalt  }
0x7d: {  	_ =	shalt  }
0x7e: {  	_ =	shalt  }
0x7f: {  	_ =	shalt  }
0x80: {  	_ =	shalt  }
0x81: {  	_ =	shalt  }
0x82: {  	_ =	shalt  }
0x83: {  	_ =	shalt  }
0x84: {  	_ =	shalt  }
0x85: {  	_ =	shalt  }
0x86: {  	_ =	shalt  }
0x87: {  	_ =	shalt  }
.Lfunc_end0:
.L_simem_size_0:
called_computation_lowered:
.L_overlay_start_0:
0x88: {  	s2 =	sld [smem:$0x3FD9]  }
0x89: {  	s3 =	sld [smem:$0x3FFE];
	_ =	sdelay $0x1  }
0x8a: {  	s1 =	srdreg.scid  }
0x8b: {  	s0 =	sand.u32 $0x1, s1  }
0x8c: {  	s14 =	sshll.u32 s0, $0xA;
	s2 =	sadd.s32 s3, s2  }
0x8d: {  	s2 =	sadd.s32 s2, s14  }
0x8e: {  	[smem:$0x3FC6] =	sst s2  }
0x8f: {  	_ = 	snop  }
0x90: {  	s2 =	sld [smem:$0x3FD0];
	_ =	sdelay $0x2  }
0x91: {  	s4 =	simm.s32 $0xA;
	s5 =	simm.s32 $0x10;
	s15 =	sld [smem:$0x3FC8]  }
0x92: {  	[smem:s5], [sflag:s4] =	dma.local [hbm:s2], $0x1  }
0x93: {  	_ =	swait.eq [sflag:s4], $0x1  }
0x94: {  	[sflag:s4] =	ssyncset.done $0x0  }
0x95: {  	[sflag:s4] =	ssyncadd.s32 $0xFFFFFFFF  }
0x96: {  	s16 =	sld [smem:$0x10];
	(tm) =	ssettm $0x1  }
0x97: {  	s17 =	sld [smem:$0x3FFB];
	_ =	sdelay $0x3  }
0x98: {  	_ =	strace s17  }
0x99: {  	s4 =	sld [smem:$0x3FFC];
	_ =	sdelay $0x3  }
0x9a: {  	_ =	strace s4  }
0x9b: {  	s4 =	sld [smem:$0x3FFD];
	_ =	sdelay $0x3  }
0x9c: {  	_ =	strace s4  }
0x9d: {  	_ =	strace $0x8FFFFFFF  }
0x9e: {  	s18 =	sld [smem:$0x3FDB];
	_ =	sdelay $0x1  }
0x9f: {  	s19 =	simm.s32 $_scs_section_size  }
0xa0: {  	s6 =	simm.s32 $_size__tile_overlayer_lowered;
	s7 =	simm.s32 $_tile_overlayer_lowered  }
0xa1: {  	s22 =	simm.s32 $0x1BFF;
	s21 =	sshll.u32 s7, $0x1;
	s4 =	sadd.s32 s19, s18  }
0xa2: {  	s8 =	simm.s32 $0x0;
	s20 =	sshll.u32 s6, $0x1;
	s6 =	sadd.s32 s21, s4  }
0xa3: {  	[timem:s8], [sflag:s22] =	dma.local [hbm:s6], s20  }
0xa4: {  	_ =	swait.ge [sflag:s22], s20  }
0xa5: {  	s5 =	ssub.s32 $0x0, s20;
	[sflag:s22] =	ssyncset.done $0x0  }
0xa6: {  	[sflag:s22] =	ssyncadd.s32 s5;
	_ =	sdelay $0x1  }
0xa7: {  	s23 =	simm.s32 $0x1B8B  }
0xa8: {  	_ =	swait.ge [sflag:s23], $0x1  }
0xa9: {  	[sflag:s23] =	ssyncset.done $0x0  }
0xaa: {  	s25 =	simm.s32 $0x1B8E;
	s24 =	sld [smem:$0x3FFE];
	[sflag:s23] =	ssyncadd.s32 $0xFFFFFFFF  }
0xab: {  	s26 =	simm.s32 $execute0_lowered;
	[smem:$0x3FD2] =	sst s25  }
0xac: {  	s6 =	sshll.u32 s26, $0x1;
	_ =	strace $0x80000046;
	[dreg:$0x1] =	wrdreg $0xFFFFFFFF  }
0xad: {  	s28 =	simm.s32 $_size_execute0_lowered;
	s4 =	sadd.s32 s4, s6;
	[dreg:$0x0] =	wrdreg $0x0  }
0xae: {  	s6 =	sshll.u32 s28, $0x1;
	[dreg:$0x2] =	wrdreg s4  }
0xaf: {  	[dreg:$0x3] =	wrdreg s6  }
0xb0: {  	[dreg:$0x4] =	wrdreg $0xC0  }
0xb1: {  	_ =	task [dreg:s8], $0x5FFFF  }
0xb2: {  	[dreg:$0x1] =	wrdreg $0xFFFFFFFF  }
0xb3: {  	[dreg:$0x0] =	wrdreg $0x60  }
0xb4: {  	[dreg:$0x2] =	wrdreg s15  }
0xb5: {  	[dreg:$0x3] =	wrdreg s24  }
0xb6: {  	[dreg:$0x4] =	wrdreg s16  }
0xb7: {  	[dreg:$0x5] =	wrdreg $0xC0800  }
0xb8: {  	[dreg:$0x6] =	wrdreg $0x9  }
0xb9: {  	_ =	task.clear_ibuf [dreg:s8], $0x7FFFF;
	_ =	strace $0x90000046  }
0xba: {  	s29 =	simm.s32 $0x9;
	_ =	strace $0x80000048  }
0xbb: {  	_ =	swait.ge [sflag:s29], $0x1  }
0xbc: {  	[sflag:s29] =	ssyncadd.s32 $0xFFFFFFFF  }
0xbd: {  	_ =	strace $0x90000048  }
0xbe: {  	_ =	sfence  }
0xbf: {  	s30 =	sld [smem:$0x0];
	_ =	sdelay $0x2  }
0xc0: {  	s31 =	sshll.u32 s1, $0xD;
	s1 =	sshrl.u32 s1, $0x2  }
0xc1: {  	s3 =	sand.u32 $0x4000, s31;
	s1 =	sadd.s32 s1, s30  }
0xc2: {  	s0 =	sor.u32 s3, s0;
	s1 =	sshll.u32 s1, $0x11  }
0xc3: {  	s0 =	sor.u32 s1, s0  }
0xc4: {  	s0 =	sadd.s32 $0x8F2B, s0  }
0xc5: {  	[sflag:s0] =	ssyncadd.remote.s32 $0x1  }
0xc6: {  	_ =	sfence.sel $0xFFFF  }
0xc7: {  	[dreg:$0x0] =	wrdreg $0xFFFFFFFF;
	(pc) =	sbr.abs _section_cstart, $3  }
0xc8: {  	[dreg:$0x1] =	wrdreg $0xFFFFFFFF  }
0xc9: {  	_ =	task.clear_ibuf [dreg:s8], $0x2FFFF;
	_ =	strace $0x9FFFFFFF  }
0xca: {  	(tm) =	ssettm $0x7FFFFFFF  }
0xcb: {  	_ =	shalt  }
tec
execute0_lowered:
.L_overlay_start_1:
0x0: {  	(tag) =	ssettag $0x1  }
0x1: {  	s1 =	rddreg [dreg:$0x0]  }
0x2: {  	s4 =	rddreg [dreg:$0x1]  }
0x3: {  	s6 =	rddreg [dreg:$0x2]  }
0x4: {  	s2 =	rddreg [dreg:$0x3]  }
0x5: {  	s3 =	simm.s32 $0x0;
	s8 =	srdreg.scid;
	s14 =	stileid.u32  }
0x6: {  	s28 =	simm.s32 $0x7880;
	s29 =	simm.s32 $0x1;
	[smem:$0x7FF] =	sst s3  }
0x7: {  	s5 =	sadd.s32 $0x1200, s4;
	s7 =	sadd.s32 $0x1A00, s4;
	s13 =	sand.u32 $0x1, s8  }
0x8: {  	s9 =	sadd.s32 $0x2200, s4;
	s10 =	sshll.u32 s14, $0xA;
	p0 =	sne.s32 s14, $0x0  }
0x9: {  	s14 =	simm.s32 $0x1080;
	_ =	strace $0x80000047;
	[dreg:$0x5] =	wrdreg s7  }
0xa: {  	s11 =	sshll.u32 s13, $0x9;
	[dreg:$0x6] =	wrdreg s9;
	s15 =	sshll.u32 s13, $0x11  }
0xb: {  	s16 =	ssub.s32 $0x2, s13;
	s13 =	simm.s32 $0x880;
	s10 =	sor.u32 s11, s10  }
0xc: {  	s9 =	sadd.s32 s15, s4;
	s18 =	sshrl.u32 s16, $0x1;
	s15 =	simm.s32 $0x1880  }
0xd: {  	s17 =	sshrl.u32 s10, $0x3;
	s12 =	sshll.u32 s10, $0x5;
	s20 =	sor.u32 $0x80, s10  }
0xe: {  	s11 =	ssub.s32 s16, s18;
	s23 =	sor.u32 $0x100, s10;
	s30 =	sor.u32 $0x180, s10  }
0xf: {  	s16 =	simm.s32 $0x2080;
	s18 =	simm.s32 $0x3080;
	s7 =	sadd.s32 s5, s17  }
0x10: {  	s19 =	sadd.s32 s6, s12;
	s21 =	sshrl.u32 s20, $0x3;
	s22 =	sshll.u32 s20, $0x5  }
0x11: {  	s25 =	sshrl.u32 s23, $0x3;
	s31 =	sshll.u32 s23, $0x5;
	s10 =	sshrl.u32 s30, $0x3  }
0x12: {  	s8 =	smax.u32 s11, $0x1;
	s11 =	simm.s32 $0x2;
	s12 =	simm.s32 $0x80  }
0x13: {  	s17 =	simm.s32 $0x2880;
	s20 =	simm.s32 $0x4080;
	[dreg:$0x7] =	wrdreg s7  }
0x14: {  	s23 =	simm.s32 $0x5880;
	[dreg:$0x8] =	wrdreg s19;
	s4 =	sadd.s32 s5, s21  }
0x15: {  	s24 =	sadd.s32 s6, s22;
	s26 =	sadd.s32 s5, s25;
	s5 =	sadd.s32 s5, s10  }
0x16: {  	s7 =	sshll.u32 s30, $0x5;
	s10 =	simm.s32 $0x8080;
	[dreg:$0x9] =	wrdreg s4  }
0x17: {  	s19 =	simm.s32 $0x3880;
	s21 =	simm.s32 $0x4880;
	[dreg:$0xa] =	wrdreg s24  }
0x18: {  	v2 =	vlaneseq.u32;
	s22 =	simm.s32 $0x5080;
	s25 =	simm.s32 $0x6880;
	[dreg:$0xb] =	wrdreg s26  }
0x19: {  	vm0 =	vmmov $0xffff;
	v1 =	vshrl.u32 v2, $0x3;
	s4 =	sadd.s32 s6, s31;
	s6 =	sadd.s32 s6, s7;
	s7 =	sadd.s32 $0x22200, s9  }
0x1a: {  	v0 =	vand.u32 $0x7, v2;
	v2 =	vor.u32 $0x8, v2;
	v1 =	vmul.u32 $0x8, v1;
	s9 =	sshrl.u32 @!p0 s2, $0x3;
	s24 =	simm.s32 $0x6080;
	s26 =	simm.s32 $0x7080  }
.LBB2_1:
0x1b: {  	s30 =	rddreg [dreg:$0x6];
	s31 =	simm.s32 @!p0 $0x1C02  }
0x1c: {  	[spmem:s9], [sflag:s31] =	dma.local @!p0 [hbm:s30], $0x20000  }
0x1d: {  	s30 =	simm.s32 @!p0 $0x2  }
0x1e: {  	_ =	swait.ge @!p0 [sflag:s30], $0x20000  }
0x1f: {  	[sflag:s30] =	ssyncset.done @!p0 $0x0  }
0x20: {  	s0 =	rddreg [dreg:$0x5];
	[sflag:s30] =	ssyncadd.s32 @!p0 $0xFFFE0000  }
0x21: {  	[tilespmem:s10], [sflag:$0x2] =	stream.linear.gather [hbm4b:s0+s3], $0x4000, $0x38;
	[tilespmem:$0x1C080] =	vst v63  }
0x22: {  	_ =	swait.ge [sflag:s11], $0x4000  }
0x23: {  	[sflag:s11] =	ssyncset.done $0x0  }
0x24: {  	[sflag:s11] =	ssyncadd.s32 $0xFFFFC000  }
0x25: {  	[bflag:$0x0] =	sbarrier.arrive $0xFFFF  }
0x26: {  	s0 =	rddreg [dreg:$0x7]  }
0x27: {  	[tilespmem:s3], [sflag:$0x2] =	stream.linear.gather [hbm4b:s0+s3], $0x80, $0x38;
	[tilespmem:$0x1C080] =	vst v63  }
0x28: {  	_ =	swait.ge [sflag:s11], $0x80  }
0x29: {  	[sflag:s11] =	ssyncset.done $0x0  }
0x2a: {  	[sflag:s11] =	ssyncadd.s32 $0xFFFFFF80  }
0x2b: {  	v3 =	vld [tilespmem:$0x0];
	_ =	sdelay $0x4  }
0x2c: {  	v4 =	vshll.u32 v3, $0x1  }
0x2d: {  	v3 =	vand.u32 $0x7, v3;
	v4 =	vand.u32 $0xFFFFFFF0, v4  }
0x2e: {  	v3 =	vor.u32 v3, v4  }
0x2f: {  	v4 =	vperm.xlane v3, v0;
	_ =	sdelay $0x1  }
0x30: {  	v3 =	vperm.xlane v3, v2;
	v4 =	vadd.s32 v1, v4;
	_ =	sdelay $0x1  }
0x31: {  	v3 =	vadd.s32 v1, v3;
	_ =	sdelay $0x2  }
0x32: {  	[tilespmem:s12], [sflag:$0x1] =	stream.indirect_vreg.gather [hbm4b:s1+s3], $0x80, v4, vm0, $0xb8;
	[tilespmem:$0x1C080] =	vst v63  }
0x33: {  	_ = 	snop  }
0x34: {  	[tilespmem:s13], [sflag:$0x1] =	stream.indirect_vreg.gather [hbm4b:s1+s3], $0x80, v3, vm0, $0xb8;
	[tilespmem:$0x1C080] =	vst v63  }
0x35: {  	v3 =	vld [tilespmem:$0x10];
	_ =	sdelay $0x4  }
0x36: {  	v33 =	vshll.u32 v3, $0x1  }
0x37: {  	v3 =	vand.u32 $0x7, v3;
	v4 =	vand.u32 $0xFFFFFFF0, v33  }
0x38: {  	v3 =	vor.u32 v3, v4  }
0x39: {  	v4 =	vperm.xlane v3, v0;
	_ =	sdelay $0x1  }
0x3a: {  	v3 =	vperm.xlane v3, v2;
	v4 =	vadd.s32 v1, v4;
	_ =	sdelay $0x1  }
0x3b: {  	v3 =	vadd.s32 v1, v3;
	_ =	sdelay $0x2  }
0x3c: {  	[tilespmem:s14], [sflag:$0x1] =	stream.indirect_vreg.gather [hbm4b:s1+s3], $0x80, v4, vm0, $0xb8;
	[tilespmem:$0x1C080] =	vst v63  }
0x3d: {  	_ = 	snop  }
0x3e: {  	[tilespmem:s15], [sflag:$0x1] =	stream.indirect_vreg.gather [hbm4b:s1+s3], $0x80, v3, vm0, $0xb8;
	[tilespmem:$0x1C080] =	vst v63  }
0x3f: {  	v3 =	vld [tilespmem:$0x20];
	_ =	sdelay $0x4  }
0x40: {  	v34 =	vshll.u32 v3, $0x1  }
0x41: {  	v3 =	vand.u32 $0x7, v3;
	v4 =	vand.u32 $0xFFFFFFF0, v34  }
0x42: {  	v3 =	vor.u32 v3, v4  }
0x43: {  	v4 =	vperm.xlane v3, v0;
	_ =	sdelay $0x1  }
0x44: {  	v3 =	vperm.xlane v3, v2;
	v4 =	vadd.s32 v1, v4;
	_ =	sdelay $0x1  }
0x45: {  	v3 =	vadd.s32 v1, v3;
	_ =	sdelay $0x2  }
0x46: {  	[tilespmem:s16], [sflag:$0x1] =	stream.indirect_vreg.gather [hbm4b:s1+s3], $0x80, v4, vm0, $0xb8;
	[tilespmem:$0x1C080] =	vst v63  }
0x47: {  	_ = 	snop  }
0x48: {  	[tilespmem:s17], [sflag:$0x1] =	stream.indirect_vreg.gather [hbm4b:s1+s3], $0x80, v3, vm0, $0xb8;
	[tilespmem:$0x1C080] =	vst v63  }
0x49: {  	v3 =	vld [tilespmem:$0x30];
	_ =	sdelay $0x4  }
0x4a: {  	v35 =	vshll.u32 v3, $0x1  }
0x4b: {  	v3 =	vand.u32 $0x7, v3;
	v4 =	vand.u32 $0xFFFFFFF0, v35  }
0x4c: {  	v3 =	vor.u32 v3, v4  }
0x4d: {  	v4 =	vperm.xlane v3, v0;
	_ =	sdelay $0x1  }
0x4e: {  	v3 =	vperm.xlane v3, v2;
	v4 =	vadd.s32 v1, v4;
	_ =	sdelay $0x1  }
0x4f: {  	v3 =	vadd.s32 v1, v3;
	_ =	sdelay $0x2  }
0x50: {  	[tilespmem:s18], [sflag:$0x1] =	stream.indirect_vreg.gather [hbm4b:s1+s3], $0x80, v4, vm0, $0xb8;
	[tilespmem:$0x1C080] =	vst v63  }
0x51: {  	_ = 	snop  }
0x52: {  	[tilespmem:s19], [sflag:$0x1] =	stream.indirect_vreg.gather [hbm4b:s1+s3], $0x80, v3, vm0, $0xb8;
	[tilespmem:$0x1C080] =	vst v63  }
0x53: {  	v3 =	vld [tilespmem:$0x40];
	_ =	sdelay $0x4  }
0x54: {  	v36 =	vshll.u32 v3, $0x1  }
0x55: {  	v3 =	vand.u32 $0x7, v3;
	v4 =	vand.u32 $0xFFFFFFF0, v36  }
0x56: {  	v3 =	vor.u32 v3, v4  }
0x57: {  	v4 =	vperm.xlane v3, v0;
	_ =	sdelay $0x1  }
0x58: {  	v3 =	vperm.xlane v3, v2;
	v4 =	vadd.s32 v1, v4;
	_ =	sdelay $0x1  }
0x59: {  	v3 =	vadd.s32 v1, v3;
	_ =	sdelay $0x2  }
0x5a: {  	[tilespmem:s20], [sflag:$0x1] =	stream.indirect_vreg.gather [hbm4b:s1+s3], $0x80, v4, vm0, $0xb8;
	[tilespmem:$0x1C080] =	vst v63  }
0x5b: {  	_ = 	snop  }
0x5c: {  	[tilespmem:s21], [sflag:$0x1] =	stream.indirect_vreg.gather [hbm4b:s1+s3], $0x80, v3, vm0, $0xb8;
	[tilespmem:$0x1C080] =	vst v63  }
0x5d: {  	v3 =	vld [tilespmem:$0x50];
	_ =	sdelay $0x4  }
0x5e: {  	v37 =	vshll.u32 v3, $0x1  }
0x5f: {  	v3 =	vand.u32 $0x7, v3;
	v4 =	vand.u32 $0xFFFFFFF0, v37  }
0x60: {  	v3 =	vor.u32 v3, v4  }
0x61: {  	v4 =	vperm.xlane v3, v0;
	_ =	sdelay $0x1  }
0x62: {  	v3 =	vperm.xlane v3, v2;
	v4 =	vadd.s32 v1, v4;
	_ =	sdelay $0x1  }
0x63: {  	v3 =	vadd.s32 v1, v3;
	_ =	sdelay $0x2  }
0x64: {  	[tilespmem:s22], [sflag:$0x1] =	stream.indirect_vreg.gather [hbm4b:s1+s3], $0x80, v4, vm0, $0xb8;
	[tilespmem:$0x1C080] =	vst v63  }
0x65: {  	_ = 	snop  }
0x66: {  	[tilespmem:s23], [sflag:$0x1] =	stream.indirect_vreg.gather [hbm4b:s1+s3], $0x80, v3, vm0, $0xb8;
	[tilespmem:$0x1C080] =	vst v63  }
0x67: {  	v3 =	vld [tilespmem:$0x60];
	_ =	sdelay $0x4  }
0x68: {  	v38 =	vshll.u32 v3, $0x1  }
0x69: {  	v3 =	vand.u32 $0x7, v3;
	v4 =	vand.u32 $0xFFFFFFF0, v38  }
0x6a: {  	v3 =	vor.u32 v3, v4  }
0x6b: {  	v4 =	vperm.xlane v3, v0;
	_ =	sdelay $0x1  }
0x6c: {  	v3 =	vperm.xlane v3, v2;
	v4 =	vadd.s32 v1, v4;
	_ =	sdelay $0x1  }
0x6d: {  	v3 =	vadd.s32 v1, v3;
	_ =	sdelay $0x2  }
0x6e: {  	[tilespmem:s24], [sflag:$0x1] =	stream.indirect_vreg.gather [hbm4b:s1+s3], $0x80, v4, vm0, $0xb8;
	[tilespmem:$0x1C080] =	vst v63  }
0x6f: {  	_ = 	snop  }
0x70: {  	[tilespmem:s25], [sflag:$0x1] =	stream.indirect_vreg.gather [hbm4b:s1+s3], $0x80, v3, vm0, $0xb8;
	[tilespmem:$0x1C080] =	vst v63  }
0x71: {  	v3 =	vld [tilespmem:$0x70];
	_ =	sdelay $0x4  }
0x72: {  	v39 =	vshll.u32 v3, $0x1  }
0x73: {  	v3 =	vand.u32 $0x7, v3;
	v4 =	vand.u32 $0xFFFFFFF0, v39  }
0x74: {  	v3 =	vor.u32 v3, v4  }
0x75: {  	v4 =	vperm.xlane v3, v0;
	_ =	sdelay $0x1  }
0x76: {  	v3 =	vperm.xlane v3, v2;
	v4 =	vadd.s32 v1, v4;
	_ =	sdelay $0x1  }
0x77: {  	v3 =	vadd.s32 v1, v3;
	_ =	sdelay $0x2  }
0x78: {  	[tilespmem:s26], [sflag:$0x1] =	stream.indirect_vreg.gather [hbm4b:s1+s3], $0x80, v4, vm0, $0xb8;
	[tilespmem:$0x1C080] =	vst v63  }
0x79: {  	_ = 	snop  }
0x7a: {  	[tilespmem:s28], [sflag:$0x1] =	stream.indirect_vreg.gather [hbm4b:s1+s3], $0x80, v3, vm0, $0xb8;
	[tilespmem:$0x1C080] =	vst v63  }
0x7b: {  	_ =	swait.ge [sflag:s29], $0x8000  }
0x7c: {  	[sflag:s29] =	ssyncset.done $0x0  }
0x7d: {  	s0 =	rddreg [dreg:$0x8];
	[sflag:s29] =	ssyncadd.s32 $0xFFFF8000  }
0x7e: {  	[hbm4b:s0+s3] =	stream.linear.scatter [tilespmem:s12], [sflag:$0x2], $0x8000, $0x38;
	[tilespmem:$0x1C080] =	vst v63  }
0x7f: {  	_ =	swait.ge [sflag:s11], $0x8000  }
0x80: {  	[sflag:s11] =	ssyncset.done $0x0  }
0x81: {  	[sflag:s11] =	ssyncadd.s32 $0xFFFF8000  }
0x82: {  	[spmem:s2] =	stream.indirect.scatter.add.f32 [tilespmem:s10], [sflag:$0x2], $0x80, s3, s12, $0xb8;
	[tilespmem:$0x1C080] =	vst v63  }
0x83: {  	_ =	swait.ge [sflag:s11], $0x4000  }
0x84: {  	[sflag:s11] =	ssyncset.done $0x0  }
0x85: {  	s0 =	rddreg [dreg:$0x9];
	[sflag:s11] =	ssyncadd.s32 $0xFFFFC000  }
0x86: {  	[tilespmem:s3], [sflag:$0x2] =	stream.linear.gather [hbm4b:s0+s3], $0x80, $0x38;
	[tilespmem:$0x1C080] =	vst v63  }
0x87: {  	_ =	swait.ge [sflag:s11], $0x80  }
0x88: {  	[sflag:s11] =	ssyncset.done $0x0  }
0x89: {  	[sflag:s11] =	ssyncadd.s32 $0xFFFFFF80  }
0x8a: {  	v3 =	vld [tilespmem:$0x0];
	_ =	sdelay $0x4  }
0x8b: {  	v40 =	vshll.u32 v3, $0x1  }
0x8c: {  	v3 =	vand.u32 $0x7, v3;
	v4 =	vand.u32 $0xFFFFFFF0, v40  }
0x8d: {  	v3 =	vor.u32 v3, v4  }
0x8e: {  	v4 =	vperm.xlane v3, v0;
	_ =	sdelay $0x1  }
0x8f: {  	v3 =	vperm.xlane v3, v2;
	v4 =	vadd.s32 v1, v4;
	_ =	sdelay $0x1  }
0x90: {  	v3 =	vadd.s32 v1, v3;
	_ =	sdelay $0x2  }
0x91: {  	[tilespmem:s12], [sflag:$0x1] =	stream.indirect_vreg.gather [hbm4b:s1+s3], $0x80, v4, vm0, $0xb8;
	[tilespmem:$0x1C080] =	vst v63  }
0x92: {  	_ = 	snop  }
0x93: {  	[tilespmem:s13], [sflag:$0x1] =	stream.indirect_vreg.gather [hbm4b:s1+s3], $0x80, v3, vm0, $0xb8;
	[tilespmem:$0x1C080] =	vst v63  }
0x94: {  	v3 =	vld [tilespmem:$0x10];
	_ =	sdelay $0x4  }
0x95: {  	v41 =	vshll.u32 v3, $0x1  }
0x96: {  	v3 =	vand.u32 $0x7, v3;
	v4 =	vand.u32 $0xFFFFFFF0, v41  }
0x97: {  	v3 =	vor.u32 v3, v4  }
0x98: {  	v4 =	vperm.xlane v3, v0;
	_ =	sdelay $0x1  }
0x99: {  	v3 =	vperm.xlane v3, v2;
	v4 =	vadd.s32 v1, v4;
	_ =	sdelay $0x1  }
0x9a: {  	v3 =	vadd.s32 v1, v3;
	_ =	sdelay $0x2  }
0x9b: {  	[tilespmem:s14], [sflag:$0x1] =	stream.indirect_vreg.gather [hbm4b:s1+s3], $0x80, v4, vm0, $0xb8;
	[tilespmem:$0x1C080] =	vst v63  }
0x9c: {  	_ = 	snop  }
0x9d: {  	[tilespmem:s15], [sflag:$0x1] =	stream.indirect_vreg.gather [hbm4b:s1+s3], $0x80, v3, vm0, $0xb8;
	[tilespmem:$0x1C080] =	vst v63  }
0x9e: {  	v3 =	vld [tilespmem:$0x20];
	_ =	sdelay $0x4  }
0x9f: {  	v42 =	vshll.u32 v3, $0x1  }
0xa0: {  	v3 =	vand.u32 $0x7, v3;
	v4 =	vand.u32 $0xFFFFFFF0, v42  }
0xa1: {  	v3 =	vor.u32 v3, v4  }
0xa2: {  	v4 =	vperm.xlane v3, v0;
	_ =	sdelay $0x1  }
0xa3: {  	v3 =	vperm.xlane v3, v2;
	v4 =	vadd.s32 v1, v4;
	_ =	sdelay $0x1  }
0xa4: {  	v3 =	vadd.s32 v1, v3;
	_ =	sdelay $0x2  }
0xa5: {  	[tilespmem:s16], [sflag:$0x1] =	stream.indirect_vreg.gather [hbm4b:s1+s3], $0x80, v4, vm0, $0xb8;
	[tilespmem:$0x1C080] =	vst v63  }
0xa6: {  	_ = 	snop  }
0xa7: {  	[tilespmem:s17], [sflag:$0x1] =	stream.indirect_vreg.gather [hbm4b:s1+s3], $0x80, v3, vm0, $0xb8;
	[tilespmem:$0x1C080] =	vst v63  }
0xa8: {  	v3 =	vld [tilespmem:$0x30];
	_ =	sdelay $0x4  }
0xa9: {  	v43 =	vshll.u32 v3, $0x1  }
0xaa: {  	v3 =	vand.u32 $0x7, v3;
	v4 =	vand.u32 $0xFFFFFFF0, v43  }
0xab: {  	v3 =	vor.u32 v3, v4  }
0xac: {  	v4 =	vperm.xlane v3, v0;
	_ =	sdelay $0x1  }
0xad: {  	v3 =	vperm.xlane v3, v2;
	v4 =	vadd.s32 v1, v4;
	_ =	sdelay $0x1  }
0xae: {  	v3 =	vadd.s32 v1, v3;
	_ =	sdelay $0x2  }
0xaf: {  	[tilespmem:s18], [sflag:$0x1] =	stream.indirect_vreg.gather [hbm4b:s1+s3], $0x80, v4, vm0, $0xb8;
	[tilespmem:$0x1C080] =	vst v63  }
0xb0: {  	_ = 	snop  }
0xb1: {  	[tilespmem:s19], [sflag:$0x1] =	stream.indirect_vreg.gather [hbm4b:s1+s3], $0x80, v3, vm0, $0xb8;
	[tilespmem:$0x1C080] =	vst v63  }
0xb2: {  	v3 =	vld [tilespmem:$0x40];
	_ =	sdelay $0x4  }
0xb3: {  	v44 =	vshll.u32 v3, $0x1  }
0xb4: {  	v3 =	vand.u32 $0x7, v3;
	v4 =	vand.u32 $0xFFFFFFF0, v44  }
0xb5: {  	v3 =	vor.u32 v3, v4  }
0xb6: {  	v4 =	vperm.xlane v3, v0;
	_ =	sdelay $0x1  }
0xb7: {  	v3 =	vperm.xlane v3, v2;
	v4 =	vadd.s32 v1, v4;
	_ =	sdelay $0x1  }
0xb8: {  	v3 =	vadd.s32 v1, v3;
	_ =	sdelay $0x2  }
0xb9: {  	[tilespmem:s20], [sflag:$0x1] =	stream.indirect_vreg.gather [hbm4b:s1+s3], $0x80, v4, vm0, $0xb8;
	[tilespmem:$0x1C080] =	vst v63  }
0xba: {  	_ = 	snop  }
0xbb: {  	[tilespmem:s21], [sflag:$0x1] =	stream.indirect_vreg.gather [hbm4b:s1+s3], $0x80, v3, vm0, $0xb8;
	[tilespmem:$0x1C080] =	vst v63  }
0xbc: {  	v3 =	vld [tilespmem:$0x50];
	_ =	sdelay $0x4  }
0xbd: {  	v45 =	vshll.u32 v3, $0x1  }
0xbe: {  	v3 =	vand.u32 $0x7, v3;
	v4 =	vand.u32 $0xFFFFFFF0, v45  }
0xbf: {  	v3 =	vor.u32 v3, v4  }
0xc0: {  	v4 =	vperm.xlane v3, v0;
	_ =	sdelay $0x1  }
0xc1: {  	v3 =	vperm.xlane v3, v2;
	v4 =	vadd.s32 v1, v4;
	_ =	sdelay $0x1  }
0xc2: {  	v3 =	vadd.s32 v1, v3;
	_ =	sdelay $0x2  }
0xc3: {  	[tilespmem:s22], [sflag:$0x1] =	stream.indirect_vreg.gather [hbm4b:s1+s3], $0x80, v4, vm0, $0xb8;
	[tilespmem:$0x1C080] =	vst v63  }
0xc4: {  	_ = 	snop  }
0xc5: {  	[tilespmem:s23], [sflag:$0x1] =	stream.indirect_vreg.gather [hbm4b:s1+s3], $0x80, v3, vm0, $0xb8;
	[tilespmem:$0x1C080] =	vst v63  }
0xc6: {  	v3 =	vld [tilespmem:$0x60];
	_ =	sdelay $0x4  }
0xc7: {  	v46 =	vshll.u32 v3, $0x1  }
0xc8: {  	v3 =	vand.u32 $0x7, v3;
	v4 =	vand.u32 $0xFFFFFFF0, v46  }
0xc9: {  	v3 =	vor.u32 v3, v4  }
0xca: {  	v4 =	vperm.xlane v3, v0;
	_ =	sdelay $0x1  }
0xcb: {  	v3 =	vperm.xlane v3, v2;
	v4 =	vadd.s32 v1, v4;
	_ =	sdelay $0x1  }
0xcc: {  	v3 =	vadd.s32 v1, v3;
	_ =	sdelay $0x2  }
0xcd: {  	[tilespmem:s24], [sflag:$0x1] =	stream.indirect_vreg.gather [hbm4b:s1+s3], $0x80, v4, vm0, $0xb8;
	[tilespmem:$0x1C080] =	vst v63  }
0xce: {  	_ = 	snop  }
0xcf: {  	[tilespmem:s25], [sflag:$0x1] =	stream.indirect_vreg.gather [hbm4b:s1+s3], $0x80, v3, vm0, $0xb8;
	[tilespmem:$0x1C080] =	vst v63  }
0xd0: {  	v3 =	vld [tilespmem:$0x70];
	_ =	sdelay $0x4  }
0xd1: {  	v47 =	vshll.u32 v3, $0x1  }
0xd2: {  	v3 =	vand.u32 $0x7, v3;
	v4 =	vand.u32 $0xFFFFFFF0, v47  }
0xd3: {  	v3 =	vor.u32 v3, v4  }
0xd4: {  	v4 =	vperm.xlane v3, v0;
	_ =	sdelay $0x1  }
0xd5: {  	v3 =	vperm.xlane v3, v2;
	v4 =	vadd.s32 v1, v4;
	_ =	sdelay $0x1  }
0xd6: {  	v3 =	vadd.s32 v1, v3;
	_ =	sdelay $0x2  }
0xd7: {  	[tilespmem:s26], [sflag:$0x1] =	stream.indirect_vreg.gather [hbm4b:s1+s3], $0x80, v4, vm0, $0xb8;
	[tilespmem:$0x1C080] =	vst v63  }
0xd8: {  	_ = 	snop  }
0xd9: {  	[tilespmem:s28], [sflag:$0x1] =	stream.indirect_vreg.gather [hbm4b:s1+s3], $0x80, v3, vm0, $0xb8;
	[tilespmem:$0x1C080] =	vst v63  }
0xda: {  	_ =	swait.ge [sflag:s29], $0x8000  }
0xdb: {  	[sflag:s29] =	ssyncset.done $0x0  }
0xdc: {  	s0 =	rddreg [dreg:$0xa];
	[sflag:s29] =	ssyncadd.s32 $0xFFFF8000  }
0xdd: {  	[hbm4b:s0+s3] =	stream.linear.scatter [tilespmem:s12], [sflag:$0x2], $0x8000, $0x38;
	[tilespmem:$0x1C080] =	vst v63  }
0xde: {  	_ =	swait.ge [sflag:s11], $0x8000  }
0xdf: {  	[sflag:s11] =	ssyncset.done $0x0  }
0xe0: {  	[sflag:s11] =	ssyncadd.s32 $0xFFFF8000  }
0xe1: {  	[spmem:s2] =	stream.indirect.scatter.add.f32 [tilespmem:s10], [sflag:$0x2], $0x80, s3, s12, $0xb8;
	[tilespmem:$0x1C080] =	vst v63  }
0xe2: {  	_ =	swait.ge [sflag:s11], $0x4000  }
0xe3: {  	[sflag:s11] =	ssyncset.done $0x0  }
0xe4: {  	s0 =	rddreg [dreg:$0xb];
	[sflag:s11] =	ssyncadd.s32 $0xFFFFC000  }
0xe5: {  	[tilespmem:s3], [sflag:$0x2] =	stream.linear.gather [hbm4b:s0+s3], $0x80, $0x38;
	[tilespmem:$0x1C080] =	vst v63  }
0xe6: {  	_ =	swait.ge [sflag:s11], $0x80  }
0xe7: {  	[sflag:s11] =	ssyncset.done $0x0  }
0xe8: {  	[sflag:s11] =	ssyncadd.s32 $0xFFFFFF80  }
0xe9: {  	v3 =	vld [tilespmem:$0x0];
	_ =	sdelay $0x4  }
0xea: {  	v48 =	vshll.u32 v3, $0x1  }
0xeb: {  	v3 =	vand.u32 $0x7, v3;
	v4 =	vand.u32 $0xFFFFFFF0, v48  }
0xec: {  	v3 =	vor.u32 v3, v4  }
0xed: {  	v4 =	vperm.xlane v3, v0;
	_ =	sdelay $0x1  }
0xee: {  	v3 =	vperm.xlane v3, v2;
	v4 =	vadd.s32 v1, v4;
	_ =	sdelay $0x1  }
0xef: {  	v3 =	vadd.s32 v1, v3;
	_ =	sdelay $0x2  }
0xf0: {  	[tilespmem:s12], [sflag:$0x1] =	stream.indirect_vreg.gather [hbm4b:s1+s3], $0x80, v4, vm0, $0xb8;
	[tilespmem:$0x1C080] =	vst v63  }
0xf1: {  	_ = 	snop  }
0xf2: {  	[tilespmem:s13], [sflag:$0x1] =	stream.indirect_vreg.gather [hbm4b:s1+s3], $0x80, v3, vm0, $0xb8;
	[tilespmem:$0x1C080] =	vst v63  }
0xf3: {  	v3 =	vld [tilespmem:$0x10];
	_ =	sdelay $0x4  }
0xf4: {  	v49 =	vshll.u32 v3, $0x1  }
0xf5: {  	v3 =	vand.u32 $0x7, v3;
	v4 =	vand.u32 $0xFFFFFFF0, v49  }
0xf6: {  	v3 =	vor.u32 v3, v4  }
0xf7: {  	v4 =	vperm.xlane v3, v0;
	_ =	sdelay $0x1  }
0xf8: {  	v3 =	vperm.xlane v3, v2;
	v4 =	vadd.s32 v1, v4;
	_ =	sdelay $0x1  }
0xf9: {  	v3 =	vadd.s32 v1, v3;
	_ =	sdelay $0x2  }
0xfa: {  	[tilespmem:s14], [sflag:$0x1] =	stream.indirect_vreg.gather [hbm4b:s1+s3], $0x80, v4, vm0, $0xb8;
	[tilespmem:$0x1C080] =	vst v63  }
0xfb: {  	_ = 	snop  }
0xfc: {  	[tilespmem:s15], [sflag:$0x1] =	stream.indirect_vreg.gather [hbm4b:s1+s3], $0x80, v3, vm0, $0xb8;
	[tilespmem:$0x1C080] =	vst v63  }
0xfd: {  	v3 =	vld [tilespmem:$0x20];
	_ =	sdelay $0x4  }
0xfe: {  	v50 =	vshll.u32 v3, $0x1  }
0xff: {  	v3 =	vand.u32 $0x7, v3;
	v4 =	vand.u32 $0xFFFFFFF0, v50  }
0x100: {  	v3 =	vor.u32 v3, v4  }
0x101: {  	v4 =	vperm.xlane v3, v0;
	_ =	sdelay $0x1  }
0x102: {  	v3 =	vperm.xlane v3, v2;
	v4 =	vadd.s32 v1, v4;
	_ =	sdelay $0x1  }
0x103: {  	v3 =	vadd.s32 v1, v3;
	_ =	sdelay $0x2  }
0x104: {  	[tilespmem:s16], [sflag:$0x1] =	stream.indirect_vreg.gather [hbm4b:s1+s3], $0x80, v4, vm0, $0xb8;
	[tilespmem:$0x1C080] =	vst v63  }
0x105: {  	_ = 	snop  }
0x106: {  	[tilespmem:s17], [sflag:$0x1] =	stream.indirect_vreg.gather [hbm4b:s1+s3], $0x80, v3, vm0, $0xb8;
	[tilespmem:$0x1C080] =	vst v63  }
0x107: {  	v3 =	vld [tilespmem:$0x30];
	_ =	sdelay $0x4  }
0x108: {  	v51 =	vshll.u32 v3, $0x1  }
0x109: {  	v3 =	vand.u32 $0x7, v3;
	v4 =	vand.u32 $0xFFFFFFF0, v51  }
0x10a: {  	v3 =	vor.u32 v3, v4  }
0x10b: {  	v4 =	vperm.xlane v3, v0;
	_ =	sdelay $0x1  }
0x10c: {  	v3 =	vperm.xlane v3, v2;
	v4 =	vadd.s32 v1, v4;
	_ =	sdelay $0x1  }
0x10d: {  	v3 =	vadd.s32 v1, v3;
	_ =	sdelay $0x2  }
0x10e: {  	[tilespmem:s18], [sflag:$0x1] =	stream.indirect_vreg.gather [hbm4b:s1+s3], $0x80, v4, vm0, $0xb8;
	[tilespmem:$0x1C080] =	vst v63  }
0x10f: {  	_ = 	snop  }
0x110: {  	[tilespmem:s19], [sflag:$0x1] =	stream.indirect_vreg.gather [hbm4b:s1+s3], $0x80, v3, vm0, $0xb8;
	[tilespmem:$0x1C080] =	vst v63  }
0x111: {  	v3 =	vld [tilespmem:$0x40];
	_ =	sdelay $0x4  }
0x112: {  	v52 =	vshll.u32 v3, $0x1  }
0x113: {  	v3 =	vand.u32 $0x7, v3;
	v4 =	vand.u32 $0xFFFFFFF0, v52  }
0x114: {  	v3 =	vor.u32 v3, v4  }
0x115: {  	v4 =	vperm.xlane v3, v0;
	_ =	sdelay $0x1  }
0x116: {  	v3 =	vperm.xlane v3, v2;
	v4 =	vadd.s32 v1, v4;
	_ =	sdelay $0x1  }
0x117: {  	v3 =	vadd.s32 v1, v3;
	_ =	sdelay $0x2  }
0x118: {  	[tilespmem:s20], [sflag:$0x1] =	stream.indirect_vreg.gather [hbm4b:s1+s3], $0x80, v4, vm0, $0xb8;
	[tilespmem:$0x1C080] =	vst v63  }
0x119: {  	_ = 	snop  }
0x11a: {  	[tilespmem:s21], [sflag:$0x1] =	stream.indirect_vreg.gather [hbm4b:s1+s3], $0x80, v3, vm0, $0xb8;
	[tilespmem:$0x1C080] =	vst v63  }
0x11b: {  	v3 =	vld [tilespmem:$0x50];
	_ =	sdelay $0x4  }
0x11c: {  	v53 =	vshll.u32 v3, $0x1  }
0x11d: {  	v3 =	vand.u32 $0x7, v3;
	v4 =	vand.u32 $0xFFFFFFF0, v53  }
0x11e: {  	v3 =	vor.u32 v3, v4  }
0x11f: {  	v4 =	vperm.xlane v3, v0;
	_ =	sdelay $0x1  }
0x120: {  	v3 =	vperm.xlane v3, v2;
	v4 =	vadd.s32 v1, v4;
	_ =	sdelay $0x1  }
0x121: {  	v3 =	vadd.s32 v1, v3;
	_ =	sdelay $0x2  }
0x122: {  	[tilespmem:s22], [sflag:$0x1] =	stream.indirect_vreg.gather [hbm4b:s1+s3], $0x80, v4, vm0, $0xb8;
	[tilespmem:$0x1C080] =	vst v63  }
0x123: {  	_ = 	snop  }
0x124: {  	[tilespmem:s23], [sflag:$0x1] =	stream.indirect_vreg.gather [hbm4b:s1+s3], $0x80, v3, vm0, $0xb8;
	[tilespmem:$0x1C080] =	vst v63  }
0x125: {  	v3 =	vld [tilespmem:$0x60];
	_ =	sdelay $0x4  }
0x126: {  	v54 =	vshll.u32 v3, $0x1  }
0x127: {  	v3 =	vand.u32 $0x7, v3;
	v4 =	vand.u32 $0xFFFFFFF0, v54  }
0x128: {  	v3 =	vor.u32 v3, v4  }
0x129: {  	v4 =	vperm.xlane v3, v0;
	_ =	sdelay $0x1  }
0x12a: {  	v3 =	vperm.xlane v3, v2;
	v4 =	vadd.s32 v1, v4;
	_ =	sdelay $0x1  }
0x12b: {  	v3 =	vadd.s32 v1, v3;
	_ =	sdelay $0x2  }
0x12c: {  	[tilespmem:s24], [sflag:$0x1] =	stream.indirect_vreg.gather [hbm4b:s1+s3], $0x80, v4, vm0, $0xb8;
	[tilespmem:$0x1C080] =	vst v63  }
0x12d: {  	_ = 	snop  }
0x12e: {  	[tilespmem:s25], [sflag:$0x1] =	stream.indirect_vreg.gather [hbm4b:s1+s3], $0x80, v3, vm0, $0xb8;
	[tilespmem:$0x1C080] =	vst v63  }
0x12f: {  	v3 =	vld [tilespmem:$0x70];
	_ =	sdelay $0x4  }
0x130: {  	v55 =	vshll.u32 v3, $0x1  }
0x131: {  	v3 =	vand.u32 $0x7, v3;
	v4 =	vand.u32 $0xFFFFFFF0, v55  }
0x132: {  	v3 =	vor.u32 v3, v4  }
0x133: {  	v4 =	vperm.xlane v3, v0;
	_ =	sdelay $0x1  }
0x134: {  	v3 =	vperm.xlane v3, v2;
	v4 =	vadd.s32 v1, v4;
	_ =	sdelay $0x1  }
0x135: {  	v3 =	vadd.s32 v1, v3;
	_ =	sdelay $0x2  }
0x136: {  	[tilespmem:s26], [sflag:$0x1] =	stream.indirect_vreg.gather [hbm4b:s1+s3], $0x80, v4, vm0, $0xb8;
	[tilespmem:$0x1C080] =	vst v63  }
0x137: {  	_ = 	snop  }
0x138: {  	[tilespmem:s28], [sflag:$0x1] =	stream.indirect_vreg.gather [hbm4b:s1+s3], $0x80, v3, vm0, $0xb8;
	[tilespmem:$0x1C080] =	vst v63  }
0x139: {  	_ =	swait.ge [sflag:s29], $0x8000  }
0x13a: {  	[sflag:s29] =	ssyncset.done $0x0  }
0x13b: {  	[sflag:s29] =	ssyncadd.s32 $0xFFFF8000  }
0x13c: {  	[hbm4b:s4+s3] =	stream.linear.scatter [tilespmem:s12], [sflag:$0x2], $0x8000, $0x38;
	[tilespmem:$0x1C080] =	vst v63  }
0x13d: {  	_ =	swait.ge [sflag:s11], $0x8000  }
0x13e: {  	[sflag:s11] =	ssyncset.done $0x0  }
0x13f: {  	[sflag:s11] =	ssyncadd.s32 $0xFFFF8000  }
0x140: {  	[spmem:s2] =	stream.indirect.scatter.add.f32 [tilespmem:s10], [sflag:$0x2], $0x80, s3, s12, $0xb8;
	[tilespmem:$0x1C080] =	vst v63  }
0x141: {  	_ =	swait.ge [sflag:s11], $0x4000  }
0x142: {  	[sflag:s11] =	ssyncset.done $0x0  }
0x143: {  	[sflag:s11] =	ssyncadd.s32 $0xFFFFC000  }
0x144: {  	[tilespmem:s3], [sflag:$0x2] =	stream.linear.gather [hbm4b:s5+s3], $0x80, $0x38;
	[tilespmem:$0x1C080] =	vst v63  }
0x145: {  	_ =	swait.ge [sflag:s11], $0x80  }
0x146: {  	[sflag:s11] =	ssyncset.done $0x0  }
0x147: {  	[sflag:s11] =	ssyncadd.s32 $0xFFFFFF80  }
0x148: {  	v3 =	vld [tilespmem:$0x0];
	_ =	sdelay $0x4  }
0x149: {  	v56 =	vshll.u32 v3, $0x1  }
0x14a: {  	v3 =	vand.u32 $0x7, v3;
	v4 =	vand.u32 $0xFFFFFFF0, v56  }
0x14b: {  	v3 =	vor.u32 v3, v4  }
0x14c: {  	v4 =	vperm.xlane v3, v0;
	_ =	sdelay $0x1  }
0x14d: {  	v3 =	vperm.xlane v3, v2;
	v4 =	vadd.s32 v1, v4;
	_ =	sdelay $0x1  }
0x14e: {  	v3 =	vadd.s32 v1, v3;
	_ =	sdelay $0x2  }
0x14f: {  	[tilespmem:s12], [sflag:$0x1] =	stream.indirect_vreg.gather [hbm4b:s1+s3], $0x80, v4, vm0, $0xb8;
	[tilespmem:$0x1C080] =	vst v63  }
0x150: {  	_ = 	snop  }
0x151: {  	[tilespmem:s13], [sflag:$0x1] =	stream.indirect_vreg.gather [hbm4b:s1+s3], $0x80, v3, vm0, $0xb8;
	[tilespmem:$0x1C080] =	vst v63  }
0x152: {  	v3 =	vld [tilespmem:$0x10];
	_ =	sdelay $0x4  }
0x153: {  	v57 =	vshll.u32 v3, $0x1  }
0x154: {  	v3 =	vand.u32 $0x7, v3;
	v4 =	vand.u32 $0xFFFFFFF0, v57  }
0x155: {  	v3 =	vor.u32 v3, v4  }
0x156: {  	v4 =	vperm.xlane v3, v0;
	_ =	sdelay $0x1  }
0x157: {  	v3 =	vperm.xlane v3, v2;
	v4 =	vadd.s32 v1, v4;
	_ =	sdelay $0x1  }
0x158: {  	v3 =	vadd.s32 v1, v3;
	_ =	sdelay $0x2  }
0x159: {  	[tilespmem:s14], [sflag:$0x1] =	stream.indirect_vreg.gather [hbm4b:s1+s3], $0x80, v4, vm0, $0xb8;
	[tilespmem:$0x1C080] =	vst v63  }
0x15a: {  	_ = 	snop  }
0x15b: {  	[tilespmem:s15], [sflag:$0x1] =	stream.indirect_vreg.gather [hbm4b:s1+s3], $0x80, v3, vm0, $0xb8;
	[tilespmem:$0x1C080] =	vst v63  }
0x15c: {  	v3 =	vld [tilespmem:$0x20];
	_ =	sdelay $0x4  }
0x15d: {  	v58 =	vshll.u32 v3, $0x1  }
0x15e: {  	v3 =	vand.u32 $0x7, v3;
	v4 =	vand.u32 $0xFFFFFFF0, v58  }
0x15f: {  	v3 =	vor.u32 v3, v4  }
0x160: {  	v4 =	vperm.xlane v3, v0;
	_ =	sdelay $0x1  }
0x161: {  	v3 =	vperm.xlane v3, v2;
	v4 =	vadd.s32 v1, v4;
	_ =	sdelay $0x1  }
0x162: {  	v3 =	vadd.s32 v1, v3;
	_ =	sdelay $0x2  }
0x163: {  	[tilespmem:s16], [sflag:$0x1] =	stream.indirect_vreg.gather [hbm4b:s1+s3], $0x80, v4, vm0, $0xb8;
	[tilespmem:$0x1C080] =	vst v63  }
0x164: {  	_ = 	snop  }
0x165: {  	[tilespmem:s17], [sflag:$0x1] =	stream.indirect_vreg.gather [hbm4b:s1+s3], $0x80, v3, vm0, $0xb8;
	[tilespmem:$0x1C080] =	vst v63  }
0x166: {  	v3 =	vld [tilespmem:$0x30];
	_ =	sdelay $0x4  }
0x167: {  	v59 =	vshll.u32 v3, $0x1  }
0x168: {  	v3 =	vand.u32 $0x7, v3;
	v4 =	vand.u32 $0xFFFFFFF0, v59  }
0x169: {  	v3 =	vor.u32 v3, v4  }
0x16a: {  	v4 =	vperm.xlane v3, v0;
	_ =	sdelay $0x1  }
0x16b: {  	v3 =	vperm.xlane v3, v2;
	v4 =	vadd.s32 v1, v4;
	_ =	sdelay $0x1  }
0x16c: {  	v3 =	vadd.s32 v1, v3;
	_ =	sdelay $0x2  }
0x16d: {  	[tilespmem:s18], [sflag:$0x1] =	stream.indirect_vreg.gather [hbm4b:s1+s3], $0x80, v4, vm0, $0xb8;
	[tilespmem:$0x1C080] =	vst v63  }
0x16e: {  	_ = 	snop  }
0x16f: {  	[tilespmem:s19], [sflag:$0x1] =	stream.indirect_vreg.gather [hbm4b:s1+s3], $0x80, v3, vm0, $0xb8;
	[tilespmem:$0x1C080] =	vst v63  }
0x170: {  	v3 =	vld [tilespmem:$0x40];
	_ =	sdelay $0x4  }
0x171: {  	v60 =	vshll.u32 v3, $0x1  }
0x172: {  	v3 =	vand.u32 $0x7, v3;
	v4 =	vand.u32 $0xFFFFFFF0, v60  }
0x173: {  	v3 =	vor.u32 v3, v4  }
0x174: {  	v4 =	vperm.xlane v3, v0;
	_ =	sdelay $0x1  }
0x175: {  	v3 =	vperm.xlane v3, v2;
	v4 =	vadd.s32 v1, v4;
	_ =	sdelay $0x1  }
0x176: {  	v3 =	vadd.s32 v1, v3;
	_ =	sdelay $0x2  }
0x177: {  	[tilespmem:s20], [sflag:$0x1] =	stream.indirect_vreg.gather [hbm4b:s1+s3], $0x80, v4, vm0, $0xb8;
	[tilespmem:$0x1C080] =	vst v63  }
0x178: {  	_ = 	snop  }
0x179: {  	[tilespmem:s21], [sflag:$0x1] =	stream.indirect_vreg.gather [hbm4b:s1+s3], $0x80, v3, vm0, $0xb8;
	[tilespmem:$0x1C080] =	vst v63  }
0x17a: {  	v3 =	vld [tilespmem:$0x50];
	_ =	sdelay $0x4  }
0x17b: {  	v61 =	vshll.u32 v3, $0x1  }
0x17c: {  	v3 =	vand.u32 $0x7, v3;
	v4 =	vand.u32 $0xFFFFFFF0, v61  }
0x17d: {  	v3 =	vor.u32 v3, v4  }
0x17e: {  	v4 =	vperm.xlane v3, v0;
	_ =	sdelay $0x1  }
0x17f: {  	v3 =	vperm.xlane v3, v2;
	v4 =	vadd.s32 v1, v4;
	_ =	sdelay $0x1  }
0x180: {  	v3 =	vadd.s32 v1, v3;
	_ =	sdelay $0x2  }
0x181: {  	[tilespmem:s22], [sflag:$0x1] =	stream.indirect_vreg.gather [hbm4b:s1+s3], $0x80, v4, vm0, $0xb8;
	[tilespmem:$0x1C080] =	vst v63  }
0x182: {  	_ = 	snop  }
0x183: {  	[tilespmem:s23], [sflag:$0x1] =	stream.indirect_vreg.gather [hbm4b:s1+s3], $0x80, v3, vm0, $0xb8;
	[tilespmem:$0x1C080] =	vst v63  }
0x184: {  	v3 =	vld [tilespmem:$0x60];
	_ =	sdelay $0x4  }
0x185: {  	v62 =	vshll.u32 v3, $0x1  }
0x186: {  	v3 =	vand.u32 $0x7, v3;
	v4 =	vand.u32 $0xFFFFFFF0, v62  }
0x187: {  	v3 =	vor.u32 v3, v4  }
0x188: {  	v4 =	vperm.xlane v3, v0;
	_ =	sdelay $0x1  }
0x189: {  	v3 =	vperm.xlane v3, v2;
	v4 =	vadd.s32 v1, v4;
	_ =	sdelay $0x1  }
0x18a: {  	v3 =	vadd.s32 v1, v3;
	_ =	sdelay $0x2  }
0x18b: {  	[tilespmem:s24], [sflag:$0x1] =	stream.indirect_vreg.gather [hbm4b:s1+s3], $0x80, v4, vm0, $0xb8;
	[tilespmem:$0x1C080] =	vst v63  }
0x18c: {  	_ = 	snop  }
0x18d: {  	[tilespmem:s25], [sflag:$0x1] =	stream.indirect_vreg.gather [hbm4b:s1+s3], $0x80, v3, vm0, $0xb8;
	[tilespmem:$0x1C080] =	vst v63  }
0x18e: {  	v3 =	vld [tilespmem:$0x70];
	_ =	sdelay $0x4  }
0x18f: {  	v63 =	vshll.u32 v3, $0x1  }
0x190: {  	v3 =	vand.u32 $0x7, v3;
	v4 =	vand.u32 $0xFFFFFFF0, v63  }
0x191: {  	v3 =	vor.u32 v3, v4  }
0x192: {  	v4 =	vperm.xlane v3, v0;
	_ =	sdelay $0x1  }
0x193: {  	v3 =	vperm.xlane v3, v2;
	v4 =	vadd.s32 v1, v4;
	_ =	sdelay $0x1  }
0x194: {  	v3 =	vadd.s32 v1, v3;
	_ =	sdelay $0x2  }
0x195: {  	[tilespmem:s26], [sflag:$0x1] =	stream.indirect_vreg.gather [hbm4b:s1+s3], $0x80, v4, vm0, $0xb8;
	[tilespmem:$0x1C080] =	vst v63  }
0x196: {  	_ = 	snop  }
0x197: {  	[tilespmem:s28], [sflag:$0x1] =	stream.indirect_vreg.gather [hbm4b:s1+s3], $0x80, v3, vm0, $0xb8;
	[tilespmem:$0x1C080] =	vst v63  }
0x198: {  	_ =	swait.ge [sflag:s29], $0x8000  }
0x199: {  	[sflag:s29] =	ssyncset.done $0x0  }
0x19a: {  	[sflag:s29] =	ssyncadd.s32 $0xFFFF8000  }
0x19b: {  	[hbm4b:s6+s3] =	stream.linear.scatter [tilespmem:s12], [sflag:$0x2], $0x8000, $0x38;
	[tilespmem:$0x1C080] =	vst v63  }
0x19c: {  	_ =	swait.ge [sflag:s11], $0x8000  }
0x19d: {  	[sflag:s11] =	ssyncset.done $0x0  }
0x19e: {  	[sflag:s11] =	ssyncadd.s32 $0xFFFF8000  }
0x19f: {  	[spmem:s2] =	stream.indirect.scatter.add.f32 [tilespmem:s10], [sflag:$0x2], $0x80, s3, s12, $0xb8;
	[tilespmem:$0x1C080] =	vst v63  }
0x1a0: {  	_ =	swait.ge [sflag:s11], $0x4000  }
0x1a1: {  	s8 =	sadd.s32 $0xFFFFFFFF, s8;
	[sflag:s11] =	ssyncset.done $0x0  }
0x1a2: {  	p1 =	sne.s32 s8, $0x0;
	[sflag:s11] =	ssyncadd.s32 $0xFFFFC000  }
.Ltmp0:
0x1a3: {  	[bflag:$0x0] =	sbarrier.arrive $0xFFFF;
	(pc) =	sbr.rel @p1 .LBB2_1-.Ltmp0, $4  }
0x1a4: {  	[hbm:s7], [sflag:s31] =	dma.local @!p0 [spmem:s9], $0x20000  }
0x1a5: {  	_ =	swait.ge @!p0 [sflag:s30], $0x20000  }
0x1a6: {  	[sflag:s30] =	ssyncset.done @!p0 $0x0  }
0x1a7: {  	[sflag:s30] =	ssyncadd.s32 @!p0 $0xFFFE0000  }
0x1a8: {  	_ =	sfence.sel $0x180000  }
0x1a9: {  	[bflag:$0x0] =	sbarrier.arrive $0xFFFF  }
0x1aa: {  	_ =	strace $0x90000047  }
0x1ab: {  	[bflag:$0x2] =	sbarrier.arrive $0xFFFF  }
0x1ac: {  	s0 =	rddreg [dreg:$0x4]  }
0x1ad: {  	s0 =	sadd.s32 @!p0 $0x100000, s0  }
0x1ae: {  	[sflag:s0] =	ssyncadd.tile.s32 @!p0 $0x1;
	_ =	shalt  }
.Lfunc_end2:
_tile_overlayer_lowered:
.L_overlay_start_2:
0x1af: {  	(tag) =	ssettag $0x2  }
0x1b0: {  	s0 =	rddreg [dreg:$0x0];
	s2 =	stileid.u32  }
0x1b1: {  	s1 =	rddreg [dreg:$0x1];
	p0 =	sne.s32 s2, $0x0  }
0x1b2: {  	s3 =	rddreg [dreg:$0x2];
	[bflag:$0x3] =	sbarrier.arrive $0xFFFF;
	s2 =	simm.s32 @!p0 $0x1C02  }
0x1b3: {  	[timem:s3], [sflag:s2] =	dma.local @!p0 [hbm:s0], s1  }
0x1b4: {  	s0 =	simm.s32 @!p0 $0x2  }
0x1b5: {  	_ =	swait.ge @!p0 [sflag:s0], s1  }
0x1b6: {  	s1 =	ssub.s32 @!p0 $0x0, s1;
	[sflag:s0] =	ssyncset.done @!p0 $0x0  }
0x1b7: {  	[sflag:s0] =	ssyncadd.s32 @!p0 s1  }
0x1b8: {  	[bflag:$0x3] =	sbarrier.arrive $0xFFFF  }
0x1b9: {  	_ =	shalt  }

</sc_bundles>
